<compile_context>
chip_gen: v7x
topology: tpu7x:2x2x1
jax: 0.10.2.dev20260603
libtpu: 0.0.44.dev20260713+nightly
codegen_flags: <defaults>
</compile_context>

<pallas_src>
import functools

import jax
import jax.numpy as jnp
from jax import lax
from jax.experimental import pallas as pl
from jax.experimental.pallas import tpu as pltpu, tpu_sc as plsc

N = 10000
E = 320000
D = 128
P = 100000

N_PAD = 10240
P_PAD = 102400

NC, NS = 2, 16
NW = NC * NS

E_PER_W = E // NW
E_CHUNK = 80
E_STEPS = E_PER_W // E_CHUNK
E_PAIRS = E_STEPS // 2
N_ACC = N_PAD
ACC_PER_SUB = N_ACC // NS

DEG_CHUNK = 200
DEG_STEPS = E_PER_W // DEG_CHUNK

P_PER_W = P_PAD // NW
P_CHUNK = 200
P_STEPS = P_PER_W // P_CHUNK
P_PAIRS = P_STEPS // 2

ROWS_PER_SUB = N_PAD // NS

_mesh = plsc.VectorSubcoreMesh(core_axis_name="c", subcore_axis_name="s")



@functools.partial(
    pl.kernel,
    out_type=jax.ShapeDtypeStruct((NC, N_PAD), jnp.float32),
    mesh=_mesh,
    scratch_types=[
        pltpu.VMEM((E_PER_W,), jnp.int32),
        pltpu.VMEM((DEG_CHUNK,), jnp.float32),
        pltpu.VMEM_SHARED((N_PAD,), jnp.float32),
    ],
)
def _sc_degree(dst_hbm, zeros_hbm, out_hbm, didx_v, ones_v, acc_sh):
    cid = lax.axis_index("c")
    sid = lax.axis_index("s")
    wid = sid * NC + cid

    def fill(i, carry):
        ones_v[pl.ds(i * 16, 16)] = jnp.full((16,), 1.0, jnp.float32)
        return carry
    lax.fori_loop(0, DEG_CHUNK // 16, fill, None)

    e0 = pl.multiple_of(wid * E_PER_W, 8)
    pltpu.sync_copy(dst_hbm.at[pl.ds(e0, E_PER_W)], didx_v)

    row0 = sid * ROWS_PER_SUB
    pltpu.sync_copy(zeros_hbm.at[pl.ds(row0, ROWS_PER_SUB)],
                    acc_sh.at[pl.ds(row0, ROWS_PER_SUB)])
    plsc.subcore_barrier()

    def step(j, carry):
        idx = didx_v.at[pl.ds(j * DEG_CHUNK, DEG_CHUNK)]
        pltpu.sync_copy(ones_v, acc_sh.at[idx], add=True)
        return carry
    lax.fori_loop(0, DEG_STEPS, step, None)

    plsc.subcore_barrier()
    pltpu.sync_copy(acc_sh.at[pl.ds(row0, ROWS_PER_SUB)],
                    out_hbm.at[cid, pl.ds(row0, ROWS_PER_SUB)])


@functools.partial(
    pl.kernel,
    out_type=jax.ShapeDtypeStruct((NC, N_PAD, D), jnp.float32),
    mesh=_mesh,
    scratch_types=[
        pltpu.VMEM((E_PER_W,), jnp.int32),
        pltpu.VMEM((E_PER_W,), jnp.int32),
        pltpu.VMEM((E_CHUNK, D), jnp.float32),
        pltpu.VMEM((E_CHUNK, D), jnp.float32),
        pltpu.VMEM_SHARED((N_ACC, D), jnp.float32),
        pltpu.SemaphoreType.DMA,
        pltpu.SemaphoreType.DMA,
    ],
)
def _sc_message_pass(hp_hbm, src_hbm, dst_hbm, zeros_hbm, out_hbm,
                     sidx_v, didx_v, rows0, rows1, acc_sh, sem0, sem1):
    cid = lax.axis_index("c")
    sid = lax.axis_index("s")
    wid = sid * NC + cid

    e0 = pl.multiple_of(wid * E_PER_W, 8)
    pltpu.sync_copy(src_hbm.at[pl.ds(e0, E_PER_W)], sidx_v)
    pltpu.sync_copy(dst_hbm.at[pl.ds(e0, E_PER_W)], didx_v)

    row0 = sid * ACC_PER_SUB
    @pl.when(cid == 0)
    def _():
        pltpu.sync_copy(hp_hbm.at[pl.ds(row0, ACC_PER_SUB)],
                        acc_sh.at[pl.ds(row0, ACC_PER_SUB)])
    @pl.when(cid != 0)
    def _():
        pltpu.sync_copy(zeros_hbm.at[pl.ds(row0, ACC_PER_SUB)],
                        acc_sh.at[pl.ds(row0, ACC_PER_SUB)])
    plsc.subcore_barrier()

    def sidx_of(c):
        return sidx_v.at[pl.ds(c * E_CHUNK, E_CHUNK)]

    def didx_of(c):
        return didx_v.at[pl.ds(c * E_CHUNK, E_CHUNK)]

    pltpu.async_copy(hp_hbm.at[sidx_of(0)], rows0, sem0)

    def step(t, carry):
        pltpu.async_copy(hp_hbm.at[sidx_of(2 * t + 1)], rows1, sem1)
        pltpu.make_async_copy(hp_hbm.at[sidx_of(2 * t)], rows0, sem0).wait()
        pltpu.sync_copy(rows0, acc_sh.at[didx_of(2 * t)], add=True)

        pltpu.async_copy(hp_hbm.at[sidx_of(2 * t + 2)], rows0, sem0)
        pltpu.make_async_copy(hp_hbm.at[sidx_of(2 * t + 1)], rows1, sem1).wait()
        pltpu.sync_copy(rows1, acc_sh.at[didx_of(2 * t + 1)], add=True)
        return carry
    lax.fori_loop(0, E_PAIRS, step, None)

    pltpu.make_async_copy(hp_hbm.at[sidx_of(E_STEPS - 1)], rows0, sem0).wait()
    pltpu.sync_copy(rows0, acc_sh.at[didx_of(E_STEPS - 1)], add=True)

    plsc.subcore_barrier()
    pltpu.sync_copy(acc_sh.at[pl.ds(row0, ACC_PER_SUB)],
                    out_hbm.at[cid, pl.ds(row0, ACC_PER_SUB)])


@functools.partial(
    pl.kernel,
    out_type=(jax.ShapeDtypeStruct((P_PAD, D), jnp.float32),
              jax.ShapeDtypeStruct((P_PAD, D), jnp.float32)),
    mesh=_mesh,
    scratch_types=[
        pltpu.VMEM((P_PER_W,), jnp.int32),
        pltpu.VMEM((P_PER_W,), jnp.int32),
        pltpu.VMEM((P_CHUNK, D), jnp.float32),
        pltpu.VMEM((P_CHUNK, D), jnp.float32),
        pltpu.VMEM((P_CHUNK, D), jnp.float32),
        pltpu.VMEM((P_CHUNK, D), jnp.float32),
        pltpu.SemaphoreType.DMA,
        pltpu.SemaphoreType.DMA,
    ],
)
def _sc_pair_gather(a_hbm, b_hbm, sidx_hbm, tidx_hbm, ga_hbm, gb_hbm,
                    si_v, ti_v, a0, b0, a1, b1, sem0, sem1):
    cid = lax.axis_index("c")
    sid = lax.axis_index("s")
    wid = sid * NC + cid

    p00 = pl.multiple_of(wid * P_PER_W, 8)
    pltpu.sync_copy(sidx_hbm.at[pl.ds(p00, P_PER_W)], si_v)
    pltpu.sync_copy(tidx_hbm.at[pl.ds(p00, P_PER_W)], ti_v)

    def start(a_v, b_v, sem, c):
        off = pl.ds(c * P_CHUNK, P_CHUNK)
        pltpu.async_copy(a_hbm.at[si_v.at[off]], a_v, sem)
        pltpu.async_copy(b_hbm.at[ti_v.at[off]], b_v, sem)

    def drain_store(a_v, b_v, sem, c):
        off = pl.ds(c * P_CHUNK, P_CHUNK)
        pltpu.make_async_copy(a_hbm.at[si_v.at[off]], a_v, sem).wait()
        pltpu.make_async_copy(b_hbm.at[ti_v.at[off]], b_v, sem).wait()
        p0 = pl.multiple_of(wid * P_PER_W + c * P_CHUNK, 8)
        pltpu.sync_copy(a_v, ga_hbm.at[pl.ds(p0, P_CHUNK)])
        pltpu.sync_copy(b_v, gb_hbm.at[pl.ds(p0, P_CHUNK)])

    start(a0, b0, sem0, 0)

    def step(t, carry):
        start(a1, b1, sem1, 2 * t + 1)
        drain_store(a0, b0, sem0, 2 * t)

        @pl.when(t + 1 < P_PAIRS)
        def _():
            start(a0, b0, sem0, 2 * t + 2)

        drain_store(a1, b1, sem1, 2 * t + 1)
        return carry
    lax.fori_loop(0, P_PAIRS, step, None)



ROW_BLK = 1024
N_GRID = N_PAD // ROW_BLK

_HIGH = jax.lax.Precision.HIGHEST


def _dinv_from(deg_ref):
    deg = deg_ref[0] + deg_ref[1] + 1.0
    return lax.rsqrt(deg)


def _tc1_body(x_ref, w1_ref, wlb_ref, bl1_ref, deg_ref, h1p_ref, bpre_ref):
    x = x_ref[...]
    dinv = _dinv_from(deg_ref)
    h = jnp.dot(x, w1_ref[...], precision=_HIGH, preferred_element_type=jnp.float32)
    h1p_ref[...] = h * dinv
    bpre_ref[...] = jnp.dot(x, wlb_ref[...], precision=_HIGH,
                            preferred_element_type=jnp.float32) + bl1_ref[...]


def _tc_mid_body(relu_first, s_ref, deg_ref, b_ref, w_ref, out_ref):
    dinv = _dinv_from(deg_ref)
    s = s_ref[0] + s_ref[1]
    h = dinv * s + b_ref[...]
    if relu_first:
        h = jnp.maximum(h, 0.0)
        out_ref[...] = jnp.dot(h, w_ref[...], precision=_HIGH,
                               preferred_element_type=jnp.float32) * dinv
    else:
        out_ref[...] = jnp.dot(h, w_ref[...], precision=_HIGH,
                               preferred_element_type=jnp.float32)


PAIR_BLK = 4096
P_GRID = P_PAD // PAIR_BLK


def _tc4_body(ga_ref, gb_ref, wl2_ref, bl2_ref, out_ref):
    z1 = jnp.maximum(ga_ref[...] + gb_ref[...], 0.0)
    z = jnp.dot(z1, wl2_ref[...], precision=_HIGH,
                preferred_element_type=jnp.float32) + bl2_ref[...]
    out_ref[...] = jax.nn.sigmoid(z)


def _row_spec(blk, cols):
    return pl.BlockSpec((blk, cols), lambda i: (i, 0))


def _full_spec(shape):
    return pl.BlockSpec(shape, lambda i: tuple(0 for _ in shape))


def _tc1(x_pad, W1, Wlb, bl1, deg2):
    return pl.pallas_call(
        _tc1_body,
        grid=(N_GRID,),
        in_specs=[
            _row_spec(ROW_BLK, D),
            _full_spec((D, D)),
            _full_spec((D, D)),
            _full_spec((1, D)),
            pl.BlockSpec((NC, ROW_BLK, 1), lambda i: (0, i, 0)),
        ],
        out_specs=[_row_spec(ROW_BLK, D), _row_spec(ROW_BLK, D)],
        out_shape=[jax.ShapeDtypeStruct((N_PAD, D), jnp.float32),
                   jax.ShapeDtypeStruct((N_PAD, D), jnp.float32)],
    )(x_pad, W1, Wlb, bl1, deg2)


def _tc_mid(relu_first, S, deg2, b, W):
    return pl.pallas_call(
        functools.partial(_tc_mid_body, relu_first),
        grid=(N_GRID,),
        in_specs=[
            pl.BlockSpec((NC, ROW_BLK, D), lambda i: (0, i, 0)),
            pl.BlockSpec((NC, ROW_BLK, 1), lambda i: (0, i, 0)),
            _full_spec((1, D)),
            _full_spec((D, D)),
        ],
        out_specs=_row_spec(ROW_BLK, D),
        out_shape=jax.ShapeDtypeStruct((N_PAD, D), jnp.float32),
    )(S, deg2, b, W)


def _tc4(GA, GB, Wl2, bl2):
    return pl.pallas_call(
        _tc4_body,
        grid=(P_GRID,),
        in_specs=[
            _row_spec(PAIR_BLK, D),
            _row_spec(PAIR_BLK, D),
            _full_spec((D, 1)),
            _full_spec((1, 1)),
        ],
        out_specs=_row_spec(PAIR_BLK, 1),
        out_shape=jax.ShapeDtypeStruct((P_PAD, 1), jnp.float32),
    )(GA, GB, Wl2, bl2)



def kernel(x, edge_index, node_pairs, W1, b1, W2, b2, Wl1, bl1, Wl2, bl2):
    x_pad = jnp.pad(x, ((0, N_PAD - N), (0, 0)))
    src = edge_index[0]
    dst = edge_index[1]
    pad_idx = jnp.arange(P_PAD - P, dtype=jnp.int32) % N
    sidx = jnp.concatenate([node_pairs[:, 0], pad_idx])
    tidx = jnp.concatenate([node_pairs[:, 1], pad_idx])

    zeros_row = jnp.zeros((N_PAD,), jnp.float32)
    zeros_big = jnp.zeros((N_PAD, D), jnp.float32)

    deg2 = _sc_degree(dst, zeros_row).reshape(NC, N_PAD, 1)

    Wl1_top = Wl1[:D]
    Wl1_bot = Wl1[D:]
    h1p, Bpre = _tc1(x_pad, W1, Wl1_bot, bl1.reshape(1, D), deg2)

    S1 = _sc_message_pass(h1p, src, dst, zeros_big)
    H2p = _tc_mid(True, S1, deg2, b1.reshape(1, D), W2)

    S2 = _sc_message_pass(H2p, src, dst, zeros_big)
    Apre = _tc_mid(False, S2, deg2, b2.reshape(1, D), Wl1_top)

    GA, GB = _sc_pair_gather(Apre, Bpre, sidx, tidx)
    out = _tc4(GA, GB, Wl2, bl2.reshape(1, 1))
    return out[:P]

# --- scband reference (transcript-rebuilt; emitter-appended) ---
"""Pipeline reference for scband-gcnlink-predictor-75840532513315 (READ-ONLY COPY).

The authoritative reference and input builder live on the scoring server;
editing this copy changes nothing except your own understanding.
"""

import jax, jax.numpy as jnp
import numpy as np

N = 10000
E = 320000
D_IN = 128
D_HID = 128
D_OUT = 128
P = 100000


def gcn_conv(x, edge_index, W, b):
    n = x.shape[0]
    loop = jnp.arange(n, dtype=edge_index.dtype)
    src = jnp.concatenate([edge_index[0], loop])
    dst = jnp.concatenate([edge_index[1], loop])
    h = x @ W
    deg = jnp.zeros((n,), x.dtype).at[dst].add(1.0)
    dinv = jnp.where(deg > 0, 1.0 / jnp.sqrt(deg), 0.0)
    norm = dinv[src] * dinv[dst]
    out = jnp.zeros_like(h).at[dst].add(h[src] * norm[:, None])
    return out + b


def setup_inputs(seed: int = 0):
    key = jax.random.key(seed)
    ks = [jax.random.fold_in(key, i) for i in range(12)]
    x = jax.random.normal(ks[0], (N, D_IN), jnp.float32)
    edge_index = jax.random.randint(ks[1], (2, E), 0, N, jnp.int32)
    node_pairs = jax.random.randint(ks[2], (P, 2), 0, N, jnp.int32)
    W1 = jax.random.normal(ks[3], (D_IN, D_HID), jnp.float32) * 0.05
    b1 = jnp.zeros((D_HID,), jnp.float32)
    W2 = jax.random.normal(ks[4], (D_HID, D_OUT), jnp.float32) * 0.05
    b2 = jnp.zeros((D_OUT,), jnp.float32)
    Wl1 = jax.random.normal(ks[5], (D_IN + D_OUT, D_HID), jnp.float32) * 0.05
    bl1 = jnp.zeros((D_HID,), jnp.float32)
    Wl2 = jax.random.normal(ks[6], (D_HID, 1), jnp.float32) * 0.05
    bl2 = jnp.zeros((1,), jnp.float32)
    return {"x": x, "edge_index": edge_index, "node_pairs": node_pairs,
            "W1": W1, "b1": b1, "W2": W2, "b2": b2,
            "Wl1": Wl1, "bl1": bl1, "Wl2": Wl2, "bl2": bl2}


def reference(x, edge_index, node_pairs, W1, b1, W2, b2, Wl1, bl1, Wl2, bl2):
    # target embeddings use raw input features (as in torch forward)
    target_emb = x[node_pairs[:, 1]]
    h = gcn_conv(x, edge_index, W1, b1)
    h = jax.nn.relu(h)
    h = gcn_conv(h, edge_index, W2, b2)
    source_emb = h[node_pairs[:, 0]]
    edge_emb = jnp.concatenate([source_emb, target_emb], axis=1)
    z = jax.nn.relu(edge_emb @ Wl1 + bl1)
    z = z @ Wl2 + bl2
    return jax.nn.sigmoid(z)

if __name__ == "__main__":
    import jax
    _d = setup_inputs()
    print(jax.jit(kernel)(*tuple(_d.values())))

</pallas_src>

<mosaic_0001>
#map = affine_map<(d0, d1) -> (0, 0)>
#map1 = affine_map<(d0, d1) -> (0)>
module attributes {stable_mosaic.version = 14 : i64} {
  func.func @_sc_pair_gather(%arg0: i32, %arg1: i32, %arg2: memref<10240x128xf32, #tpu.memory_space<hbm>>, %arg3: memref<10240x128xf32, #tpu.memory_space<hbm>>, %arg4: memref<102400xi32, #tpu.memory_space<hbm>>, %arg5: memref<102400xi32, #tpu.memory_space<hbm>>, %arg6: memref<102400x128xf32, #tpu.memory_space<hbm>>, %arg7: memref<102400x128xf32, #tpu.memory_space<hbm>>, %arg8: memref<3200xi32, #tpu.memory_space<vmem>>, %arg9: memref<3200xi32, #tpu.memory_space<vmem>>, %arg10: memref<200x128xf32, #tpu.memory_space<vmem>>, %arg11: memref<200x128xf32, #tpu.memory_space<vmem>>, %arg12: memref<200x128xf32, #tpu.memory_space<vmem>>, %arg13: memref<200x128xf32, #tpu.memory_space<vmem>>, %arg14: memref<!tpu.dma_semaphore, #tpu.memory_space<semaphore_mem>>, %arg15: memref<!tpu.dma_semaphore, #tpu.memory_space<semaphore_mem>>) attributes {dimension_semantics = [#tpu.dimension_semantics<core_parallel>, #tpu.dimension_semantics<subcore_parallel>], iteration_bounds = array<i64: 2, 16>, scalar_prefetch = 0 : i64, scratch_operands = 8 : i64, tpu.core_type = #tpu.core_type<sc_vector_subcore>, window_params = [{transform_indices = #map}, {transform_indices = #map}, {transform_indices = #map1}, {transform_indices = #map1}, {transform_indices = #map}, {transform_indices = #map}]} {
    %mul3A = arith.constant 2 : i32
    %mul3A_0 = arith.muli %arg1, %mul3A : i32
    %add3A = arith.addi %mul3A_0, %arg0 : i32
    %mul3A_1 = arith.constant 3200 : i32
    %mul3A_2 = arith.muli %add3A, %mul3A_1 : i32
    %multiple_of3A = tpu.assume_multiple %mul3A_2, 8 : i32
    "tpu.region"() ({
      %run_scoped3A = tpu.sem_alloc : memref<!tpu.dma_semaphore, #tpu.memory_space<semaphore_mem>>
      %dma_start3A_16 = tpu.memref_slice %arg4[%multiple_of3A] : memref<102400xi32, #tpu.memory_space<hbm>> -> memref<3200xi32, #tpu.memory_space<hbm>>
      %dma_start3A_17 = tpu.memref_slice %arg4[%multiple_of3A] : memref<102400xi32, #tpu.memory_space<hbm>> -> memref<3200xi32, #tpu.memory_space<hbm>>
      tpu.enqueue_dma source(%dma_start3A_17 : memref<3200xi32, #tpu.memory_space<hbm>>) target(%arg8 : memref<3200xi32, #tpu.memory_space<vmem>>) target_semaphore(%run_scoped3A : memref<!tpu.dma_semaphore, #tpu.memory_space<semaphore_mem>>)
      %dma_wait3A = tpu.memref_slice %arg4[%multiple_of3A] : memref<102400xi32, #tpu.memory_space<hbm>> -> memref<3200xi32, #tpu.memory_space<hbm>>
      %dma_wait3A_18 = tpu.memref_slice %arg4[%multiple_of3A] : memref<102400xi32, #tpu.memory_space<hbm>> -> memref<3200xi32, #tpu.memory_space<hbm>>
      tpu.wait_dma2 semaphore(%run_scoped3A : memref<!tpu.dma_semaphore, #tpu.memory_space<semaphore_mem>>) src(%dma_wait3A_18 : memref<3200xi32, #tpu.memory_space<hbm>>) dst(%arg8 : memref<3200xi32, #tpu.memory_space<vmem>>)
      tpu.yield
    }) : () -> ()
    "tpu.region"() ({
      %run_scoped3A = tpu.sem_alloc : memref<!tpu.dma_semaphore, #tpu.memory_space<semaphore_mem>>
      %dma_start3A_16 = tpu.memref_slice %arg5[%multiple_of3A] : memref<102400xi32, #tpu.memory_space<hbm>> -> memref<3200xi32, #tpu.memory_space<hbm>>
      %dma_start3A_17 = tpu.memref_slice %arg5[%multiple_of3A] : memref<102400xi32, #tpu.memory_space<hbm>> -> memref<3200xi32, #tpu.memory_space<hbm>>
      tpu.enqueue_dma source(%dma_start3A_17 : memref<3200xi32, #tpu.memory_space<hbm>>) target(%arg9 : memref<3200xi32, #tpu.memory_space<vmem>>) target_semaphore(%run_scoped3A : memref<!tpu.dma_semaphore, #tpu.memory_space<semaphore_mem>>)
      %dma_wait3A = tpu.memref_slice %arg5[%multiple_of3A] : memref<102400xi32, #tpu.memory_space<hbm>> -> memref<3200xi32, #tpu.memory_space<hbm>>
      %dma_wait3A_18 = tpu.memref_slice %arg5[%multiple_of3A] : memref<102400xi32, #tpu.memory_space<hbm>> -> memref<3200xi32, #tpu.memory_space<hbm>>
      tpu.wait_dma2 semaphore(%run_scoped3A : memref<!tpu.dma_semaphore, #tpu.memory_space<semaphore_mem>>) src(%dma_wait3A_18 : memref<3200xi32, #tpu.memory_space<hbm>>) dst(%arg9 : memref<3200xi32, #tpu.memory_space<vmem>>)
      tpu.yield
    }) : () -> ()
    %dma_start3A = arith.constant 0 : i32
    %dma_start3A_3 = tpu.memref_slice %arg8[%dma_start3A] : memref<3200xi32, #tpu.memory_space<vmem>> -> memref<200xi32, #tpu.memory_space<vmem>>
    %dma_start3A_4 = arith.constant 0 : i32
    %dma_start3A_5 = arith.constant 0 : i32
    %dma_start3A_6 = tpu.memref_slice %arg2[%dma_start3A_4, %dma_start3A_5] : memref<10240x128xf32, #tpu.memory_space<hbm>> -> memref<10240x128xf32, #tpu.memory_space<hbm>>
    tpu.enqueue_indirect_dma source(%dma_start3A_6 : memref<10240x128xf32, #tpu.memory_space<hbm>>) target(%arg10 : memref<200x128xf32, #tpu.memory_space<vmem>>) offsets(%dma_start3A_3 : memref<200xi32, #tpu.memory_space<vmem>>) semaphore(%arg14 : memref<!tpu.dma_semaphore, #tpu.memory_space<semaphore_mem>>)
    %dma_start3A_7 = arith.constant 0 : i32
    %dma_start3A_8 = tpu.memref_slice %arg9[%dma_start3A_7] : memref<3200xi32, #tpu.memory_space<vmem>> -> memref<200xi32, #tpu.memory_space<vmem>>
    %dma_start3A_9 = arith.constant 0 : i32
    %dma_start3A_10 = arith.constant 0 : i32
    %dma_start3A_11 = tpu.memref_slice %arg3[%dma_start3A_9, %dma_start3A_10] : memref<10240x128xf32, #tpu.memory_space<hbm>> -> memref<10240x128xf32, #tpu.memory_space<hbm>>
    tpu.enqueue_indirect_dma source(%dma_start3A_11 : memref<10240x128xf32, #tpu.memory_space<hbm>>) target(%arg11 : memref<200x128xf32, #tpu.memory_space<vmem>>) offsets(%dma_start3A_8 : memref<200xi32, #tpu.memory_space<vmem>>) semaphore(%arg14 : memref<!tpu.dma_semaphore, #tpu.memory_space<semaphore_mem>>)
    %scan3A = arith.constant 0 : i32
    %scan3A_12 = arith.constant 8 : i32
    %scan3A_13 = arith.addi %scan3A, %scan3A_12 : i32
    %scan3A_14 = arith.constant 1 : i32
    scf.for %scan3A_16 = %scan3A to %scan3A_13 step %scan3A_14  : i32 {
      %mul3A_17 = arith.constant 2 : i32
      %mul3A_18 = arith.muli %mul3A_17, %scan3A_16 : i32
      %add3A_19 = arith.constant 1 : i32
      %add3A_20 = arith.addi %mul3A_18, %add3A_19 : i32
      %mul3A_21 = arith.constant 200 : i32
      %mul3A_22 = arith.muli %add3A_20, %mul3A_21 : i32
      %dma_start3A_23 = tpu.memref_slice %arg8[%mul3A_22] : memref<3200xi32, #tpu.memory_space<vmem>> -> memref<200xi32, #tpu.memory_space<vmem>>
      %dma_start3A_24 = arith.constant 0 : i32
      %dma_start3A_25 = arith.constant 0 : i32
      %dma_start3A_26 = tpu.memref_slice %arg2[%dma_start3A_24, %dma_start3A_25] : memref<10240x128xf32, #tpu.memory_space<hbm>> -> memref<10240x128xf32, #tpu.memory_space<hbm>>
      tpu.enqueue_indirect_dma source(%dma_start3A_26 : memref<10240x128xf32, #tpu.memory_space<hbm>>) target(%arg12 : memref<200x128xf32, #tpu.memory_space<vmem>>) offsets(%dma_start3A_23 : memref<200xi32, #tpu.memory_space<vmem>>) semaphore(%arg15 : memref<!tpu.dma_semaphore, #tpu.memory_space<semaphore_mem>>)
      %dma_start3A_27 = tpu.memref_slice %arg9[%mul3A_22] : memref<3200xi32, #tpu.memory_space<vmem>> -> memref<200xi32, #tpu.memory_space<vmem>>
      %dma_start3A_28 = arith.constant 0 : i32
      %dma_start3A_29 = arith.constant 0 : i32
      %dma_start3A_30 = tpu.memref_slice %arg3[%dma_start3A_28, %dma_start3A_29] : memref<10240x128xf32, #tpu.memory_space<hbm>> -> memref<10240x128xf32, #tpu.memory_space<hbm>>
      tpu.enqueue_indirect_dma source(%dma_start3A_30 : memref<10240x128xf32, #tpu.memory_space<hbm>>) target(%arg13 : memref<200x128xf32, #tpu.memory_space<vmem>>) offsets(%dma_start3A_27 : memref<200xi32, #tpu.memory_space<vmem>>) semaphore(%arg15 : memref<!tpu.dma_semaphore, #tpu.memory_space<semaphore_mem>>)
      %mul3A_31 = arith.constant 2 : i32
      %mul3A_32 = arith.muli %mul3A_31, %scan3A_16 : i32
      %mul3A_33 = arith.constant 200 : i32
      %mul3A_34 = arith.muli %mul3A_32, %mul3A_33 : i32
      %dma_wait3A = tpu.memref_slice %arg8[%mul3A_34] : memref<3200xi32, #tpu.memory_space<vmem>> -> memref<200xi32, #tpu.memory_space<vmem>>
      %dma_wait3A_35 = arith.constant 0 : i32
      %dma_wait3A_36 = arith.constant 0 : i32
      %dma_wait3A_37 = tpu.memref_slice %arg2[%dma_wait3A_35, %dma_wait3A_36] : memref<10240x128xf32, #tpu.memory_space<hbm>> -> memref<10240x128xf32, #tpu.memory_space<hbm>>
      tpu.wait_indirect_dma semaphore(%arg14 : memref<!tpu.dma_semaphore, #tpu.memory_space<semaphore_mem>>) src(%dma_wait3A_37 : memref<10240x128xf32, #tpu.memory_space<hbm>>) dst(%arg10 : memref<200x128xf32, #tpu.memory_space<vmem>>)
      %dma_wait3A_38 = tpu.memref_slice %arg9[%mul3A_34] : memref<3200xi32, #tpu.memory_space<vmem>> -> memref<200xi32, #tpu.memory_space<vmem>>
      %dma_wait3A_39 = arith.constant 0 : i32
      %dma_wait3A_40 = arith.constant 0 : i32
      %dma_wait3A_41 = tpu.memref_slice %arg3[%dma_wait3A_39, %dma_wait3A_40] : memref<10240x128xf32, #tpu.memory_space<hbm>> -> memref<10240x128xf32, #tpu.memory_space<hbm>>
      tpu.wait_indirect_dma semaphore(%arg14 : memref<!tpu.dma_semaphore, #tpu.memory_space<semaphore_mem>>) src(%dma_wait3A_41 : memref<10240x128xf32, #tpu.memory_space<hbm>>) dst(%arg11 : memref<200x128xf32, #tpu.memory_space<vmem>>)
      %mul3A_42 = arith.constant 3200 : i32
      %mul3A_43 = arith.muli %add3A, %mul3A_42 : i32
      %mul3A_44 = arith.constant 200 : i32
      %mul3A_45 = arith.muli %mul3A_32, %mul3A_44 : i32
      %add3A_46 = arith.addi %mul3A_43, %mul3A_45 : i32
      %multiple_of3A_47 = tpu.assume_multiple %add3A_46, 8 : i32
      "tpu.region"() ({
        %run_scoped3A = tpu.sem_alloc : memref<!tpu.dma_semaphore, #tpu.memory_space<semaphore_mem>>
        %dma_start3A_72 = arith.constant 0 : i32
        %dma_start3A_73 = tpu.memref_slice %arg6[%multiple_of3A_47, %dma_start3A_72] : memref<102400x128xf32, #tpu.memory_space<hbm>> -> memref<200x128xf32, #tpu.memory_space<hbm>>
        %dma_start3A_74 = arith.constant 0 : i32
        %dma_start3A_75 = tpu.memref_slice %arg6[%multiple_of3A_47, %dma_start3A_74] : memref<102400x128xf32, #tpu.memory_space<hbm>> -> memref<200x128xf32, #tpu.memory_space<hbm>>
        tpu.enqueue_dma source(%arg10 : memref<200x128xf32, #tpu.memory_space<vmem>>) target(%dma_start3A_75 : memref<200x128xf32, #tpu.memory_space<hbm>>) target_semaphore(%run_scoped3A : memref<!tpu.dma_semaphore, #tpu.memory_space<semaphore_mem>>)
        %dma_wait3A_76 = arith.constant 0 : i32
        %dma_wait3A_77 = tpu.memref_slice %arg6[%multiple_of3A_47, %dma_wait3A_76] : memref<102400x128xf32, #tpu.memory_space<hbm>> -> memref<200x128xf32, #tpu.memory_space<hbm>>
        %dma_wait3A_78 = arith.constant 0 : i32
        %dma_wait3A_79 = tpu.memref_slice %arg6[%multiple_of3A_47, %dma_wait3A_78] : memref<102400x128xf32, #tpu.memory_space<hbm>> -> memref<200x128xf32, #tpu.memory_space<hbm>>
        tpu.wait_dma2 semaphore(%run_scoped3A : memref<!tpu.dma_semaphore, #tpu.memory_space<semaphore_mem>>) src(%arg10 : memref<200x128xf32, #tpu.memory_space<vmem>>) dst(%dma_wait3A_79 : memref<200x128xf32, #tpu.memory_space<hbm>>)
        tpu.yield
      }) : () -> ()
      "tpu.region"() ({
        %run_scoped3A = tpu.sem_alloc : memref<!tpu.dma_semaphore, #tpu.memory_space<semaphore_mem>>
        %dma_start3A_72 = arith.constant 0 : i32
        %dma_start3A_73 = tpu.memref_slice %arg7[%multiple_of3A_47, %dma_start3A_72] : memref<102400x128xf32, #tpu.memory_space<hbm>> -> memref<200x128xf32, #tpu.memory_space<hbm>>
        %dma_start3A_74 = arith.constant 0 : i32
        %dma_start3A_75 = tpu.memref_slice %arg7[%multiple_of3A_47, %dma_start3A_74] : memref<102400x128xf32, #tpu.memory_space<hbm>> -> memref<200x128xf32, #tpu.memory_space<hbm>>
        tpu.enqueue_dma source(%arg11 : memref<200x128xf32, #tpu.memory_space<vmem>>) target(%dma_start3A_75 : memref<200x128xf32, #tpu.memory_space<hbm>>) target_semaphore(%run_scoped3A : memref<!tpu.dma_semaphore, #tpu.memory_space<semaphore_mem>>)
        %dma_wait3A_76 = arith.constant 0 : i32
        %dma_wait3A_77 = tpu.memref_slice %arg7[%multiple_of3A_47, %dma_wait3A_76] : memref<102400x128xf32, #tpu.memory_space<hbm>> -> memref<200x128xf32, #tpu.memory_space<hbm>>
        %dma_wait3A_78 = arith.constant 0 : i32
        %dma_wait3A_79 = tpu.memref_slice %arg7[%multiple_of3A_47, %dma_wait3A_78] : memref<102400x128xf32, #tpu.memory_space<hbm>> -> memref<200x128xf32, #tpu.memory_space<hbm>>
        tpu.wait_dma2 semaphore(%run_scoped3A : memref<!tpu.dma_semaphore, #tpu.memory_space<semaphore_mem>>) src(%arg11 : memref<200x128xf32, #tpu.memory_space<vmem>>) dst(%dma_wait3A_79 : memref<200x128xf32, #tpu.memory_space<hbm>>)
        tpu.yield
      }) : () -> ()
      %add3A_48 = arith.constant 1 : i32
      %add3A_49 = arith.addi %scan3A_16, %add3A_48 : i32
      %lt3A = arith.constant 8 : i32
      %lt3A_50 = arith.cmpi slt, %add3A_49, %lt3A : i32
      %convert_element_type3A = arith.extui %lt3A_50 : i1 to i32
      %cond3A = arith.constant 0 : i32
      %cond3A_51 = arith.cmpi ne, %convert_element_type3A, %cond3A : i32
      scf.if %cond3A_51 {
        %mul3A_72 = arith.constant 2 : i32
        %mul3A_73 = arith.muli %mul3A_72, %scan3A_16 : i32
        %add3A_74 = arith.constant 2 : i32
        %add3A_75 = arith.addi %mul3A_73, %add3A_74 : i32
        %mul3A_76 = arith.constant 200 : i32
        %mul3A_77 = arith.muli %add3A_75, %mul3A_76 : i32
        %dma_start3A_78 = tpu.memref_slice %arg8[%mul3A_77] : memref<3200xi32, #tpu.memory_space<vmem>> -> memref<200xi32, #tpu.memory_space<vmem>>
        %dma_start3A_79 = arith.constant 0 : i32
        %dma_start3A_80 = arith.constant 0 : i32
        %dma_start3A_81 = tpu.memref_slice %arg2[%dma_start3A_79, %dma_start3A_80] : memref<10240x128xf32, #tpu.memory_space<hbm>> -> memref<10240x128xf32, #tpu.memory_space<hbm>>
        tpu.enqueue_indirect_dma source(%dma_start3A_81 : memref<10240x128xf32, #tpu.memory_space<hbm>>) target(%arg10 : memref<200x128xf32, #tpu.memory_space<vmem>>) offsets(%dma_start3A_78 : memref<200xi32, #tpu.memory_space<vmem>>) semaphore(%arg14 : memref<!tpu.dma_semaphore, #tpu.memory_space<semaphore_mem>>)
        %dma_start3A_82 = tpu.memref_slice %arg9[%mul3A_77] : memref<3200xi32, #tpu.memory_space<vmem>> -> memref<200xi32, #tpu.memory_space<vmem>>
        %dma_start3A_83 = arith.constant 0 : i32
        %dma_start3A_84 = arith.constant 0 : i32
        %dma_start3A_85 = tpu.memref_slice %arg3[%dma_start3A_83, %dma_start3A_84] : memref<10240x128xf32, #tpu.memory_space<hbm>> -> memref<10240x128xf32, #tpu.memory_space<hbm>>
        tpu.enqueue_indirect_dma source(%dma_start3A_85 : memref<10240x128xf32, #tpu.memory_space<hbm>>) target(%arg11 : memref<200x128xf32, #tpu.memory_space<vmem>>) offsets(%dma_start3A_82 : memref<200xi32, #tpu.memory_space<vmem>>) semaphore(%arg14 : memref<!tpu.dma_semaphore, #tpu.memory_space<semaphore_mem>>)
      } else {
      }
      %mul3A_52 = arith.constant 2 : i32
      %mul3A_53 = arith.muli %mul3A_52, %scan3A_16 : i32
      %add3A_54 = arith.constant 1 : i32
      %add3A_55 = arith.addi %mul3A_53, %add3A_54 : i32
      %mul3A_56 = arith.constant 200 : i32
      %mul3A_57 = arith.muli %add3A_55, %mul3A_56 : i32
      %dma_wait3A_58 = tpu.memref_slice %arg8[%mul3A_57] : memref<3200xi32, #tpu.memory_space<vmem>> -> memref<200xi32, #tpu.memory_space<vmem>>
      %dma_wait3A_59 = arith.constant 0 : i32
      %dma_wait3A_60 = arith.constant 0 : i32
      %dma_wait3A_61 = tpu.memref_slice %arg2[%dma_wait3A_59, %dma_wait3A_60] : memref<10240x128xf32, #tpu.memory_space<hbm>> -> memref<10240x128xf32, #tpu.memory_space<hbm>>
      tpu.wait_indirect_dma semaphore(%arg15 : memref<!tpu.dma_semaphore, #tpu.memory_space<semaphore_mem>>) src(%dma_wait3A_61 : memref<10240x128xf32, #tpu.memory_space<hbm>>) dst(%arg12 : memref<200x128xf32, #tpu.memory_space<vmem>>)
      %dma_wait3A_62 = tpu.memref_slice %arg9[%mul3A_57] : memref<3200xi32, #tpu.memory_space<vmem>> -> memref<200xi32, #tpu.memory_space<vmem>>
      %dma_wait3A_63 = arith.constant 0 : i32
      %dma_wait3A_64 = arith.constant 0 : i32
      %dma_wait3A_65 = tpu.memref_slice %arg3[%dma_wait3A_63, %dma_wait3A_64] : memref<10240x128xf32, #tpu.memory_space<hbm>> -> memref<10240x128xf32, #tpu.memory_space<hbm>>
      tpu.wait_indirect_dma semaphore(%arg15 : memref<!tpu.dma_semaphore, #tpu.memory_space<semaphore_mem>>) src(%dma_wait3A_65 : memref<10240x128xf32, #tpu.memory_space<hbm>>) dst(%arg13 : memref<200x128xf32, #tpu.memory_space<vmem>>)
      %mul3A_66 = arith.constant 3200 : i32
      %mul3A_67 = arith.muli %add3A, %mul3A_66 : i32
      %mul3A_68 = arith.constant 200 : i32
      %mul3A_69 = arith.muli %add3A_55, %mul3A_68 : i32
      %add3A_70 = arith.addi %mul3A_67, %mul3A_69 : i32
      %multiple_of3A_71 = tpu.assume_multiple %add3A_70, 8 : i32
      "tpu.region"() ({
        %run_scoped3A = tpu.sem_alloc : memref<!tpu.dma_semaphore, #tpu.memory_space<semaphore_mem>>
        %dma_start3A_72 = arith.constant 0 : i32
        %dma_start3A_73 = tpu.memref_slice %arg6[%multiple_of3A_71, %dma_start3A_72] : memref<102400x128xf32, #tpu.memory_space<hbm>> -> memref<200x128xf32, #tpu.memory_space<hbm>>
        %dma_start3A_74 = arith.constant 0 : i32
        %dma_start3A_75 = tpu.memref_slice %arg6[%multiple_of3A_71, %dma_start3A_74] : memref<102400x128xf32, #tpu.memory_space<hbm>> -> memref<200x128xf32, #tpu.memory_space<hbm>>
        tpu.enqueue_dma source(%arg12 : memref<200x128xf32, #tpu.memory_space<vmem>>) target(%dma_start3A_75 : memref<200x128xf32, #tpu.memory_space<hbm>>) target_semaphore(%run_scoped3A : memref<!tpu.dma_semaphore, #tpu.memory_space<semaphore_mem>>)
        %dma_wait3A_76 = arith.constant 0 : i32
        %dma_wait3A_77 = tpu.memref_slice %arg6[%multiple_of3A_71, %dma_wait3A_76] : memref<102400x128xf32, #tpu.memory_space<hbm>> -> memref<200x128xf32, #tpu.memory_space<hbm>>
        %dma_wait3A_78 = arith.constant 0 : i32
        %dma_wait3A_79 = tpu.memref_slice %arg6[%multiple_of3A_71, %dma_wait3A_78] : memref<102400x128xf32, #tpu.memory_space<hbm>> -> memref<200x128xf32, #tpu.memory_space<hbm>>
        tpu.wait_dma2 semaphore(%run_scoped3A : memref<!tpu.dma_semaphore, #tpu.memory_space<semaphore_mem>>) src(%arg12 : memref<200x128xf32, #tpu.memory_space<vmem>>) dst(%dma_wait3A_79 : memref<200x128xf32, #tpu.memory_space<hbm>>)
        tpu.yield
      }) : () -> ()
      "tpu.region"() ({
        %run_scoped3A = tpu.sem_alloc : memref<!tpu.dma_semaphore, #tpu.memory_space<semaphore_mem>>
        %dma_start3A_72 = arith.constant 0 : i32
        %dma_start3A_73 = tpu.memref_slice %arg7[%multiple_of3A_71, %dma_start3A_72] : memref<102400x128xf32, #tpu.memory_space<hbm>> -> memref<200x128xf32, #tpu.memory_space<hbm>>
        %dma_start3A_74 = arith.constant 0 : i32
        %dma_start3A_75 = tpu.memref_slice %arg7[%multiple_of3A_71, %dma_start3A_74] : memref<102400x128xf32, #tpu.memory_space<hbm>> -> memref<200x128xf32, #tpu.memory_space<hbm>>
        tpu.enqueue_dma source(%arg13 : memref<200x128xf32, #tpu.memory_space<vmem>>) target(%dma_start3A_75 : memref<200x128xf32, #tpu.memory_space<hbm>>) target_semaphore(%run_scoped3A : memref<!tpu.dma_semaphore, #tpu.memory_space<semaphore_mem>>)
        %dma_wait3A_76 = arith.constant 0 : i32
        %dma_wait3A_77 = tpu.memref_slice %arg7[%multiple_of3A_71, %dma_wait3A_76] : memref<102400x128xf32, #tpu.memory_space<hbm>> -> memref<200x128xf32, #tpu.memory_space<hbm>>
        %dma_wait3A_78 = arith.constant 0 : i32
        %dma_wait3A_79 = tpu.memref_slice %arg7[%multiple_of3A_71, %dma_wait3A_78] : memref<102400x128xf32, #tpu.memory_space<hbm>> -> memref<200x128xf32, #tpu.memory_space<hbm>>
        tpu.wait_dma2 semaphore(%run_scoped3A : memref<!tpu.dma_semaphore, #tpu.memory_space<semaphore_mem>>) src(%arg13 : memref<200x128xf32, #tpu.memory_space<vmem>>) dst(%dma_wait3A_79 : memref<200x128xf32, #tpu.memory_space<hbm>>)
        tpu.yield
      }) : () -> ()
    }
    %scan3A_15 = arith.constant 8 : i32
    return
  }
}

#map = affine_map<(d0, d1) -> (0, 0)>
#map1 = affine_map<(d0, d1) -> (0)>
#map2 = affine_map<(d0, d1) -> (0, 0, 0)>
module attributes {stable_mosaic.version = 14 : i64} {
  func.func @_sc_message_pass(%arg0: i32, %arg1: i32, %arg2: memref<10240x128xf32, #tpu.memory_space<hbm>>, %arg3: memref<320000xi32, #tpu.memory_space<hbm>>, %arg4: memref<320000xi32, #tpu.memory_space<hbm>>, %arg5: memref<10240x128xf32, #tpu.memory_space<hbm>>, %arg6: memref<2x10240x128xf32, #tpu.memory_space<hbm>>, %arg7: memref<10000xi32, #tpu.memory_space<vmem>>, %arg8: memref<10000xi32, #tpu.memory_space<vmem>>, %arg9: memref<80x128xf32, #tpu.memory_space<vmem>>, %arg10: memref<80x128xf32, #tpu.memory_space<vmem>>, %arg11: memref<10240x128xf32, #tpu.memory_space<vmem_shared>>, %arg12: memref<!tpu.dma_semaphore, #tpu.memory_space<semaphore_mem>>, %arg13: memref<!tpu.dma_semaphore, #tpu.memory_space<semaphore_mem>>) attributes {dimension_semantics = [#tpu.dimension_semantics<core_parallel>, #tpu.dimension_semantics<subcore_parallel>], iteration_bounds = array<i64: 2, 16>, scalar_prefetch = 0 : i64, scratch_operands = 7 : i64, tpu.core_type = #tpu.core_type<sc_vector_subcore>, window_params = [{transform_indices = #map}, {transform_indices = #map1}, {transform_indices = #map1}, {transform_indices = #map}, {transform_indices = #map2}]} {
    %mul3A = arith.constant 2 : i32
    %mul3A_0 = arith.muli %arg1, %mul3A : i32
    %add3A = arith.addi %mul3A_0, %arg0 : i32
    %mul3A_1 = arith.constant 10000 : i32
    %mul3A_2 = arith.muli %add3A, %mul3A_1 : i32
    %multiple_of3A = tpu.assume_multiple %mul3A_2, 8 : i32
    "tpu.region"() ({
      %run_scoped3A = tpu.sem_alloc : memref<!tpu.dma_semaphore, #tpu.memory_space<semaphore_mem>>
      %dma_start3A_24 = tpu.memref_slice %arg3[%multiple_of3A] : memref<320000xi32, #tpu.memory_space<hbm>> -> memref<10000xi32, #tpu.memory_space<hbm>>
      %dma_start3A_25 = tpu.memref_slice %arg3[%multiple_of3A] : memref<320000xi32, #tpu.memory_space<hbm>> -> memref<10000xi32, #tpu.memory_space<hbm>>
      tpu.enqueue_dma source(%dma_start3A_25 : memref<10000xi32, #tpu.memory_space<hbm>>) target(%arg7 : memref<10000xi32, #tpu.memory_space<vmem>>) target_semaphore(%run_scoped3A : memref<!tpu.dma_semaphore, #tpu.memory_space<semaphore_mem>>)
      %dma_wait3A_26 = tpu.memref_slice %arg3[%multiple_of3A] : memref<320000xi32, #tpu.memory_space<hbm>> -> memref<10000xi32, #tpu.memory_space<hbm>>
      %dma_wait3A_27 = tpu.memref_slice %arg3[%multiple_of3A] : memref<320000xi32, #tpu.memory_space<hbm>> -> memref<10000xi32, #tpu.memory_space<hbm>>
      tpu.wait_dma2 semaphore(%run_scoped3A : memref<!tpu.dma_semaphore, #tpu.memory_space<semaphore_mem>>) src(%dma_wait3A_27 : memref<10000xi32, #tpu.memory_space<hbm>>) dst(%arg7 : memref<10000xi32, #tpu.memory_space<vmem>>)
      tpu.yield
    }) : () -> ()
    "tpu.region"() ({
      %run_scoped3A = tpu.sem_alloc : memref<!tpu.dma_semaphore, #tpu.memory_space<semaphore_mem>>
      %dma_start3A_24 = tpu.memref_slice %arg4[%multiple_of3A] : memref<320000xi32, #tpu.memory_space<hbm>> -> memref<10000xi32, #tpu.memory_space<hbm>>
      %dma_start3A_25 = tpu.memref_slice %arg4[%multiple_of3A] : memref<320000xi32, #tpu.memory_space<hbm>> -> memref<10000xi32, #tpu.memory_space<hbm>>
      tpu.enqueue_dma source(%dma_start3A_25 : memref<10000xi32, #tpu.memory_space<hbm>>) target(%arg8 : memref<10000xi32, #tpu.memory_space<vmem>>) target_semaphore(%run_scoped3A : memref<!tpu.dma_semaphore, #tpu.memory_space<semaphore_mem>>)
      %dma_wait3A_26 = tpu.memref_slice %arg4[%multiple_of3A] : memref<320000xi32, #tpu.memory_space<hbm>> -> memref<10000xi32, #tpu.memory_space<hbm>>
      %dma_wait3A_27 = tpu.memref_slice %arg4[%multiple_of3A] : memref<320000xi32, #tpu.memory_space<hbm>> -> memref<10000xi32, #tpu.memory_space<hbm>>
      tpu.wait_dma2 semaphore(%run_scoped3A : memref<!tpu.dma_semaphore, #tpu.memory_space<semaphore_mem>>) src(%dma_wait3A_27 : memref<10000xi32, #tpu.memory_space<hbm>>) dst(%arg8 : memref<10000xi32, #tpu.memory_space<vmem>>)
      tpu.yield
    }) : () -> ()
    %mul3A_3 = arith.constant 640 : i32
    %mul3A_4 = arith.muli %arg1, %mul3A_3 : i32
    %eq3A = arith.constant 0 : i32
    %eq3A_5 = arith.cmpi eq, %arg0, %eq3A : i32
    %convert_element_type3A = arith.extui %eq3A_5 : i1 to i32
    %cond3A = arith.constant 0 : i32
    %cond3A_6 = arith.cmpi ne, %convert_element_type3A, %cond3A : i32
    scf.if %cond3A_6 {
      "tpu.region"() ({
        %run_scoped3A = tpu.sem_alloc : memref<!tpu.dma_semaphore, #tpu.memory_space<semaphore_mem>>
        %dma_start3A_24 = arith.constant 0 : i32
        %dma_start3A_25 = tpu.memref_slice %arg11[%mul3A_4, %dma_start3A_24] : memref<10240x128xf32, #tpu.memory_space<vmem_shared>> -> memref<640x128xf32, #tpu.memory_space<vmem_shared>>
        %dma_start3A_26 = arith.constant 0 : i32
        %dma_start3A_27 = tpu.memref_slice %arg2[%mul3A_4, %dma_start3A_26] : memref<10240x128xf32, #tpu.memory_space<hbm>> -> memref<640x128xf32, #tpu.memory_space<hbm>>
        tpu.enqueue_dma source(%dma_start3A_27 : memref<640x128xf32, #tpu.memory_space<hbm>>) target(%dma_start3A_25 : memref<640x128xf32, #tpu.memory_space<vmem_shared>>) target_semaphore(%run_scoped3A : memref<!tpu.dma_semaphore, #tpu.memory_space<semaphore_mem>>)
        %dma_wait3A_28 = arith.constant 0 : i32
        %dma_wait3A_29 = tpu.memref_slice %arg11[%mul3A_4, %dma_wait3A_28] : memref<10240x128xf32, #tpu.memory_space<vmem_shared>> -> memref<640x128xf32, #tpu.memory_space<vmem_shared>>
        %dma_wait3A_30 = arith.constant 0 : i32
        %dma_wait3A_31 = tpu.memref_slice %arg2[%mul3A_4, %dma_wait3A_30] : memref<10240x128xf32, #tpu.memory_space<hbm>> -> memref<640x128xf32, #tpu.memory_space<hbm>>
        tpu.wait_dma2 semaphore(%run_scoped3A : memref<!tpu.dma_semaphore, #tpu.memory_space<semaphore_mem>>) src(%dma_wait3A_31 : memref<640x128xf32, #tpu.memory_space<hbm>>) dst(%dma_wait3A_29 : memref<640x128xf32, #tpu.memory_space<vmem_shared>>)
        tpu.yield
      }) : () -> ()
    } else {
    }
    %ne3A = arith.constant 0 : i32
    %ne3A_7 = arith.cmpi ne, %arg0, %ne3A : i32
    %convert_element_type3A_8 = arith.extui %ne3A_7 : i1 to i32
    %cond3A_9 = arith.constant 0 : i32
    %cond3A_10 = arith.cmpi ne, %convert_element_type3A_8, %cond3A_9 : i32
    scf.if %cond3A_10 {
      "tpu.region"() ({
        %run_scoped3A = tpu.sem_alloc : memref<!tpu.dma_semaphore, #tpu.memory_space<semaphore_mem>>
        %dma_start3A_24 = arith.constant 0 : i32
        %dma_start3A_25 = tpu.memref_slice %arg11[%mul3A_4, %dma_start3A_24] : memref<10240x128xf32, #tpu.memory_space<vmem_shared>> -> memref<640x128xf32, #tpu.memory_space<vmem_shared>>
        %dma_start3A_26 = arith.constant 0 : i32
        %dma_start3A_27 = tpu.memref_slice %arg5[%mul3A_4, %dma_start3A_26] : memref<10240x128xf32, #tpu.memory_space<hbm>> -> memref<640x128xf32, #tpu.memory_space<hbm>>
        tpu.enqueue_dma source(%dma_start3A_27 : memref<640x128xf32, #tpu.memory_space<hbm>>) target(%dma_start3A_25 : memref<640x128xf32, #tpu.memory_space<vmem_shared>>) target_semaphore(%run_scoped3A : memref<!tpu.dma_semaphore, #tpu.memory_space<semaphore_mem>>)
        %dma_wait3A_28 = arith.constant 0 : i32
        %dma_wait3A_29 = tpu.memref_slice %arg11[%mul3A_4, %dma_wait3A_28] : memref<10240x128xf32, #tpu.memory_space<vmem_shared>> -> memref<640x128xf32, #tpu.memory_space<vmem_shared>>
        %dma_wait3A_30 = arith.constant 0 : i32
        %dma_wait3A_31 = tpu.memref_slice %arg5[%mul3A_4, %dma_wait3A_30] : memref<10240x128xf32, #tpu.memory_space<hbm>> -> memref<640x128xf32, #tpu.memory_space<hbm>>
        tpu.wait_dma2 semaphore(%run_scoped3A : memref<!tpu.dma_semaphore, #tpu.memory_space<semaphore_mem>>) src(%dma_wait3A_31 : memref<640x128xf32, #tpu.memory_space<hbm>>) dst(%dma_wait3A_29 : memref<640x128xf32, #tpu.memory_space<vmem_shared>>)
        tpu.yield
      }) : () -> ()
    } else {
    }
    %barrier3A = arith.constant 0 : index
    tpu.barrier barrier_id(%barrier3A)
    %dma_start3A = arith.constant 0 : i32
    %dma_start3A_11 = tpu.memref_slice %arg7[%dma_start3A] : memref<10000xi32, #tpu.memory_space<vmem>> -> memref<80xi32, #tpu.memory_space<vmem>>
    %dma_start3A_12 = arith.constant 0 : i32
    %dma_start3A_13 = arith.constant 0 : i32
    %dma_start3A_14 = tpu.memref_slice %arg2[%dma_start3A_12, %dma_start3A_13] : memref<10240x128xf32, #tpu.memory_space<hbm>> -> memref<10240x128xf32, #tpu.memory_space<hbm>>
    tpu.enqueue_indirect_dma source(%dma_start3A_14 : memref<10240x128xf32, #tpu.memory_space<hbm>>) target(%arg9 : memref<80x128xf32, #tpu.memory_space<vmem>>) offsets(%dma_start3A_11 : memref<80xi32, #tpu.memory_space<vmem>>) semaphore(%arg12 : memref<!tpu.dma_semaphore, #tpu.memory_space<semaphore_mem>>)
    %scan3A = arith.constant 0 : i32
    %scan3A_15 = arith.constant 62 : i32
    %scan3A_16 = arith.addi %scan3A, %scan3A_15 : i32
    %scan3A_17 = arith.constant 1 : i32
    scf.for %scan3A_24 = %scan3A to %scan3A_16 step %scan3A_17  : i32 {
      %mul3A_25 = arith.constant 2 : i32
      %mul3A_26 = arith.muli %mul3A_25, %scan3A_24 : i32
      %add3A_27 = arith.constant 1 : i32
      %add3A_28 = arith.addi %mul3A_26, %add3A_27 : i32
      %mul3A_29 = arith.constant 80 : i32
      %mul3A_30 = arith.muli %add3A_28, %mul3A_29 : i32
      %dma_start3A_31 = tpu.memref_slice %arg7[%mul3A_30] : memref<10000xi32, #tpu.memory_space<vmem>> -> memref<80xi32, #tpu.memory_space<vmem>>
      %dma_start3A_32 = arith.constant 0 : i32
      %dma_start3A_33 = arith.constant 0 : i32
      %dma_start3A_34 = tpu.memref_slice %arg2[%dma_start3A_32, %dma_start3A_33] : memref<10240x128xf32, #tpu.memory_space<hbm>> -> memref<10240x128xf32, #tpu.memory_space<hbm>>
      tpu.enqueue_indirect_dma source(%dma_start3A_34 : memref<10240x128xf32, #tpu.memory_space<hbm>>) target(%arg10 : memref<80x128xf32, #tpu.memory_space<vmem>>) offsets(%dma_start3A_31 : memref<80xi32, #tpu.memory_space<vmem>>) semaphore(%arg13 : memref<!tpu.dma_semaphore, #tpu.memory_space<semaphore_mem>>)
      %mul3A_35 = arith.constant 2 : i32
      %mul3A_36 = arith.muli %mul3A_35, %scan3A_24 : i32
      %mul3A_37 = arith.constant 80 : i32
      %mul3A_38 = arith.muli %mul3A_36, %mul3A_37 : i32
      %dma_wait3A_39 = tpu.memref_slice %arg7[%mul3A_38] : memref<10000xi32, #tpu.memory_space<vmem>> -> memref<80xi32, #tpu.memory_space<vmem>>
      %dma_wait3A_40 = arith.constant 0 : i32
      %dma_wait3A_41 = arith.constant 0 : i32
      %dma_wait3A_42 = tpu.memref_slice %arg2[%dma_wait3A_40, %dma_wait3A_41] : memref<10240x128xf32, #tpu.memory_space<hbm>> -> memref<10240x128xf32, #tpu.memory_space<hbm>>
      tpu.wait_indirect_dma semaphore(%arg12 : memref<!tpu.dma_semaphore, #tpu.memory_space<semaphore_mem>>) src(%dma_wait3A_42 : memref<10240x128xf32, #tpu.memory_space<hbm>>) dst(%arg9 : memref<80x128xf32, #tpu.memory_space<vmem>>)
      %mul3A_43 = arith.constant 2 : i32
      %mul3A_44 = arith.muli %mul3A_43, %scan3A_24 : i32
      %mul3A_45 = arith.constant 80 : i32
      %mul3A_46 = arith.muli %mul3A_44, %mul3A_45 : i32
      "tpu.region"() ({
        %run_scoped3A = tpu.sem_alloc : memref<!tpu.dma_semaphore, #tpu.memory_space<semaphore_mem>>
        %dma_start3A_73 = tpu.memref_slice %arg8[%mul3A_46] : memref<10000xi32, #tpu.memory_space<vmem>> -> memref<80xi32, #tpu.memory_space<vmem>>
        %dma_start3A_74 = arith.constant 0 : i32
        %dma_start3A_75 = arith.constant 0 : i32
        %dma_start3A_76 = tpu.memref_slice %arg11[%dma_start3A_74, %dma_start3A_75] : memref<10240x128xf32, #tpu.memory_space<vmem_shared>> -> memref<10240x128xf32, #tpu.memory_space<vmem_shared>>
        tpu.enqueue_indirect_dma source(%arg9 : memref<80x128xf32, #tpu.memory_space<vmem>>) target(%dma_start3A_76 : memref<10240x128xf32, #tpu.memory_space<vmem_shared>>) offsets(%dma_start3A_73 : memref<80xi32, #tpu.memory_space<vmem>>) semaphore(%run_scoped3A : memref<!tpu.dma_semaphore, #tpu.memory_space<semaphore_mem>>) {add = true}
        %dma_wait3A_77 = tpu.memref_slice %arg8[%mul3A_46] : memref<10000xi32, #tpu.memory_space<vmem>> -> memref<80xi32, #tpu.memory_space<vmem>>
        %dma_wait3A_78 = arith.constant 0 : i32
        %dma_wait3A_79 = arith.constant 0 : i32
        %dma_wait3A_80 = tpu.memref_slice %arg11[%dma_wait3A_78, %dma_wait3A_79] : memref<10240x128xf32, #tpu.memory_space<vmem_shared>> -> memref<10240x128xf32, #tpu.memory_space<vmem_shared>>
        tpu.wait_indirect_dma semaphore(%run_scoped3A : memref<!tpu.dma_semaphore, #tpu.memory_space<semaphore_mem>>) src(%arg9 : memref<80x128xf32, #tpu.memory_space<vmem>>) dst(%dma_wait3A_80 : memref<10240x128xf32, #tpu.memory_space<vmem_shared>>)
        tpu.yield
      }) : () -> ()
      %mul3A_47 = arith.constant 2 : i32
      %mul3A_48 = arith.muli %mul3A_47, %scan3A_24 : i32
      %add3A_49 = arith.constant 2 : i32
      %add3A_50 = arith.addi %mul3A_48, %add3A_49 : i32
      %mul3A_51 = arith.constant 80 : i32
      %mul3A_52 = arith.muli %add3A_50, %mul3A_51 : i32
      %dma_start3A_53 = tpu.memref_slice %arg7[%mul3A_52] : memref<10000xi32, #tpu.memory_space<vmem>> -> memref<80xi32, #tpu.memory_space<vmem>>
      %dma_start3A_54 = arith.constant 0 : i32
      %dma_start3A_55 = arith.constant 0 : i32
      %dma_start3A_56 = tpu.memref_slice %arg2[%dma_start3A_54, %dma_start3A_55] : memref<10240x128xf32, #tpu.memory_space<hbm>> -> memref<10240x128xf32, #tpu.memory_space<hbm>>
      tpu.enqueue_indirect_dma source(%dma_start3A_56 : memref<10240x128xf32, #tpu.memory_space<hbm>>) target(%arg9 : memref<80x128xf32, #tpu.memory_space<vmem>>) offsets(%dma_start3A_53 : memref<80xi32, #tpu.memory_space<vmem>>) semaphore(%arg12 : memref<!tpu.dma_semaphore, #tpu.memory_space<semaphore_mem>>)
      %mul3A_57 = arith.constant 2 : i32
      %mul3A_58 = arith.muli %mul3A_57, %scan3A_24 : i32
      %add3A_59 = arith.constant 1 : i32
      %add3A_60 = arith.addi %mul3A_58, %add3A_59 : i32
      %mul3A_61 = arith.constant 80 : i32
      %mul3A_62 = arith.muli %add3A_60, %mul3A_61 : i32
      %dma_wait3A_63 = tpu.memref_slice %arg7[%mul3A_62] : memref<10000xi32, #tpu.memory_space<vmem>> -> memref<80xi32, #tpu.memory_space<vmem>>
      %dma_wait3A_64 = arith.constant 0 : i32
      %dma_wait3A_65 = arith.constant 0 : i32
      %dma_wait3A_66 = tpu.memref_slice %arg2[%dma_wait3A_64, %dma_wait3A_65] : memref<10240x128xf32, #tpu.memory_space<hbm>> -> memref<10240x128xf32, #tpu.memory_space<hbm>>
      tpu.wait_indirect_dma semaphore(%arg13 : memref<!tpu.dma_semaphore, #tpu.memory_space<semaphore_mem>>) src(%dma_wait3A_66 : memref<10240x128xf32, #tpu.memory_space<hbm>>) dst(%arg10 : memref<80x128xf32, #tpu.memory_space<vmem>>)
      %mul3A_67 = arith.constant 2 : i32
      %mul3A_68 = arith.muli %mul3A_67, %scan3A_24 : i32
      %add3A_69 = arith.constant 1 : i32
      %add3A_70 = arith.addi %mul3A_68, %add3A_69 : i32
      %mul3A_71 = arith.constant 80 : i32
      %mul3A_72 = arith.muli %add3A_70, %mul3A_71 : i32
      "tpu.region"() ({
        %run_scoped3A = tpu.sem_alloc : memref<!tpu.dma_semaphore, #tpu.memory_space<semaphore_mem>>
        %dma_start3A_73 = tpu.memref_slice %arg8[%mul3A_72] : memref<10000xi32, #tpu.memory_space<vmem>> -> memref<80xi32, #tpu.memory_space<vmem>>
        %dma_start3A_74 = arith.constant 0 : i32
        %dma_start3A_75 = arith.constant 0 : i32
        %dma_start3A_76 = tpu.memref_slice %arg11[%dma_start3A_74, %dma_start3A_75] : memref<10240x128xf32, #tpu.memory_space<vmem_shared>> -> memref<10240x128xf32, #tpu.memory_space<vmem_shared>>
        tpu.enqueue_indirect_dma source(%arg10 : memref<80x128xf32, #tpu.memory_space<vmem>>) target(%dma_start3A_76 : memref<10240x128xf32, #tpu.memory_space<vmem_shared>>) offsets(%dma_start3A_73 : memref<80xi32, #tpu.memory_space<vmem>>) semaphore(%run_scoped3A : memref<!tpu.dma_semaphore, #tpu.memory_space<semaphore_mem>>) {add = true}
        %dma_wait3A_77 = tpu.memref_slice %arg8[%mul3A_72] : memref<10000xi32, #tpu.memory_space<vmem>> -> memref<80xi32, #tpu.memory_space<vmem>>
        %dma_wait3A_78 = arith.constant 0 : i32
        %dma_wait3A_79 = arith.constant 0 : i32
        %dma_wait3A_80 = tpu.memref_slice %arg11[%dma_wait3A_78, %dma_wait3A_79] : memref<10240x128xf32, #tpu.memory_space<vmem_shared>> -> memref<10240x128xf32, #tpu.memory_space<vmem_shared>>
        tpu.wait_indirect_dma semaphore(%run_scoped3A : memref<!tpu.dma_semaphore, #tpu.memory_space<semaphore_mem>>) src(%arg10 : memref<80x128xf32, #tpu.memory_space<vmem>>) dst(%dma_wait3A_80 : memref<10240x128xf32, #tpu.memory_space<vmem_shared>>)
        tpu.yield
      }) : () -> ()
    }
    %scan3A_18 = arith.constant 62 : i32
    %dma_wait3A = arith.constant 9920 : i32
    %dma_wait3A_19 = tpu.memref_slice %arg7[%dma_wait3A] : memref<10000xi32, #tpu.memory_space<vmem>> -> memref<80xi32, #tpu.memory_space<vmem>>
    %dma_wait3A_20 = arith.constant 0 : i32
    %dma_wait3A_21 = arith.constant 0 : i32
    %dma_wait3A_22 = tpu.memref_slice %arg2[%dma_wait3A_20, %dma_wait3A_21] : memref<10240x128xf32, #tpu.memory_space<hbm>> -> memref<10240x128xf32, #tpu.memory_space<hbm>>
    tpu.wait_indirect_dma semaphore(%arg12 : memref<!tpu.dma_semaphore, #tpu.memory_space<semaphore_mem>>) src(%dma_wait3A_22 : memref<10240x128xf32, #tpu.memory_space<hbm>>) dst(%arg9 : memref<80x128xf32, #tpu.memory_space<vmem>>)
    "tpu.region"() ({
      %run_scoped3A = tpu.sem_alloc : memref<!tpu.dma_semaphore, #tpu.memory_space<semaphore_mem>>
      %dma_start3A_24 = arith.constant 9920 : i32
      %dma_start3A_25 = tpu.memref_slice %arg8[%dma_start3A_24] : memref<10000xi32, #tpu.memory_space<vmem>> -> memref<80xi32, #tpu.memory_space<vmem>>
      %dma_start3A_26 = arith.constant 0 : i32
      %dma_start3A_27 = arith.constant 0 : i32
      %dma_start3A_28 = tpu.memref_slice %arg11[%dma_start3A_26, %dma_start3A_27] : memref<10240x128xf32, #tpu.memory_space<vmem_shared>> -> memref<10240x128xf32, #tpu.memory_space<vmem_shared>>
      tpu.enqueue_indirect_dma source(%arg9 : memref<80x128xf32, #tpu.memory_space<vmem>>) target(%dma_start3A_28 : memref<10240x128xf32, #tpu.memory_space<vmem_shared>>) offsets(%dma_start3A_25 : memref<80xi32, #tpu.memory_space<vmem>>) semaphore(%run_scoped3A : memref<!tpu.dma_semaphore, #tpu.memory_space<semaphore_mem>>) {add = true}
      %dma_wait3A_29 = arith.constant 9920 : i32
      %dma_wait3A_30 = tpu.memref_slice %arg8[%dma_wait3A_29] : memref<10000xi32, #tpu.memory_space<vmem>> -> memref<80xi32, #tpu.memory_space<vmem>>
      %dma_wait3A_31 = arith.constant 0 : i32
      %dma_wait3A_32 = arith.constant 0 : i32
      %dma_wait3A_33 = tpu.memref_slice %arg11[%dma_wait3A_31, %dma_wait3A_32] : memref<10240x128xf32, #tpu.memory_space<vmem_shared>> -> memref<10240x128xf32, #tpu.memory_space<vmem_shared>>
      tpu.wait_indirect_dma semaphore(%run_scoped3A : memref<!tpu.dma_semaphore, #tpu.memory_space<semaphore_mem>>) src(%arg9 : memref<80x128xf32, #tpu.memory_space<vmem>>) dst(%dma_wait3A_33 : memref<10240x128xf32, #tpu.memory_space<vmem_shared>>)
      tpu.yield
    }) : () -> ()
    %barrier3A_23 = arith.constant 0 : index
    tpu.barrier barrier_id(%barrier3A_23)
    "tpu.region"() ({
      %run_scoped3A = tpu.sem_alloc : memref<!tpu.dma_semaphore, #tpu.memory_space<semaphore_mem>>
      %dma_start3A_24 = arith.constant 0 : i32
      %dma_start3A_25 = tpu.memref_slice %arg6[%arg0, %mul3A_4, %dma_start3A_24] : memref<2x10240x128xf32, #tpu.memory_space<hbm>> -> memref<1x640x128xf32, #tpu.memory_space<hbm>>
      %dma_start3A_26 = tpu.memref_squeeze %dma_start3A_25 : memref<1x640x128xf32, #tpu.memory_space<hbm>> -> memref<640x128xf32, #tpu.memory_space<hbm>>
      %dma_start3A_27 = arith.constant 0 : i32
      %dma_start3A_28 = tpu.memref_slice %arg11[%mul3A_4, %dma_start3A_27] : memref<10240x128xf32, #tpu.memory_space<vmem_shared>> -> memref<640x128xf32, #tpu.memory_space<vmem_shared>>
      tpu.enqueue_dma source(%dma_start3A_28 : memref<640x128xf32, #tpu.memory_space<vmem_shared>>) target(%dma_start3A_26 : memref<640x128xf32, #tpu.memory_space<hbm>>) target_semaphore(%run_scoped3A : memref<!tpu.dma_semaphore, #tpu.memory_space<semaphore_mem>>)
      %dma_wait3A_29 = arith.constant 0 : i32
      %dma_wait3A_30 = tpu.memref_slice %arg6[%arg0, %mul3A_4, %dma_wait3A_29] : memref<2x10240x128xf32, #tpu.memory_space<hbm>> -> memref<1x640x128xf32, #tpu.memory_space<hbm>>
      %dma_wait3A_31 = tpu.memref_squeeze %dma_wait3A_30 : memref<1x640x128xf32, #tpu.memory_space<hbm>> -> memref<640x128xf32, #tpu.memory_space<hbm>>
      %dma_wait3A_32 = arith.constant 0 : i32
      %dma_wait3A_33 = tpu.memref_slice %arg11[%mul3A_4, %dma_wait3A_32] : memref<10240x128xf32, #tpu.memory_space<vmem_shared>> -> memref<640x128xf32, #tpu.memory_space<vmem_shared>>
      tpu.wait_dma2 semaphore(%run_scoped3A : memref<!tpu.dma_semaphore, #tpu.memory_space<semaphore_mem>>) src(%dma_wait3A_33 : memref<640x128xf32, #tpu.memory_space<vmem_shared>>) dst(%dma_wait3A_31 : memref<640x128xf32, #tpu.memory_space<hbm>>)
      tpu.yield
    }) : () -> ()
    return
  }
}

#map = affine_map<(d0, d1) -> (0)>
#map1 = affine_map<(d0, d1) -> (0, 0)>
module attributes {stable_mosaic.version = 14 : i64} {
  func.func @_sc_degree(%arg0: i32, %arg1: i32, %arg2: memref<320000xi32, #tpu.memory_space<hbm>>, %arg3: memref<10240xf32, #tpu.memory_space<hbm>>, %arg4: memref<2x10240xf32, #tpu.memory_space<hbm>>, %arg5: memref<10000xi32, #tpu.memory_space<vmem>>, %arg6: memref<200xf32, #tpu.memory_space<vmem>>, %arg7: memref<10240xf32, #tpu.memory_space<vmem_shared>>) attributes {dimension_semantics = [#tpu.dimension_semantics<core_parallel>, #tpu.dimension_semantics<subcore_parallel>], iteration_bounds = array<i64: 2, 16>, scalar_prefetch = 0 : i64, scratch_operands = 3 : i64, tpu.core_type = #tpu.core_type<sc_vector_subcore>, window_params = [{transform_indices = #map}, {transform_indices = #map}, {transform_indices = #map1}]} {
    %mul3A = arith.constant 2 : i32
    %mul3A_0 = arith.muli %arg1, %mul3A : i32
    %add3A = arith.addi %mul3A_0, %arg0 : i32
    %scan3A = arith.constant 0 : i32
    %scan3A_1 = arith.constant 12 : i32
    %scan3A_2 = arith.addi %scan3A, %scan3A_1 : i32
    %scan3A_3 = arith.constant 1 : i32
    scf.for %scan3A_15 = %scan3A to %scan3A_2 step %scan3A_3  : i32 {
      %broadcast_in_dim3A = arith.constant 1.000000e+00 : f32
      %broadcast_in_dim3A_16 = vector.broadcast %broadcast_in_dim3A : f32 to vector<16xf32>
      %mul3A_17 = arith.constant 16 : i32
      %mul3A_18 = arith.muli %scan3A_15, %mul3A_17 : i32
      %swap3A = arith.index_cast %mul3A_18 : i32 to index
      %swap3A_19 = tpu.vector_load %arg6[%swap3A] {strides = array<i32>} : memref<200xf32, #tpu.memory_space<vmem>>, vector<16xf32>,
      %swap3A_20 = vector.shape_cast %swap3A_19 : vector<16xf32> to vector<16xf32>
      %swap3A_21 = vector.shape_cast %broadcast_in_dim3A_16 : vector<16xf32> to vector<16xf32>
      tpu.vector_store %arg6[%swap3A], %swap3A_21 {strides = array<i32>} : memref<200xf32, #tpu.memory_space<vmem>>, vector<16xf32>,
    }
    %scan3A_4 = arith.constant 12 : i32
    %mul3A_5 = arith.constant 10000 : i32
    %mul3A_6 = arith.muli %add3A, %mul3A_5 : i32
    %multiple_of3A = tpu.assume_multiple %mul3A_6, 8 : i32
    "tpu.region"() ({
      %run_scoped3A = tpu.sem_alloc : memref<!tpu.dma_semaphore, #tpu.memory_space<semaphore_mem>>
      %dma_start3A = tpu.memref_slice %arg2[%multiple_of3A] : memref<320000xi32, #tpu.memory_space<hbm>> -> memref<10000xi32, #tpu.memory_space<hbm>>
      %dma_start3A_15 = tpu.memref_slice %arg2[%multiple_of3A] : memref<320000xi32, #tpu.memory_space<hbm>> -> memref<10000xi32, #tpu.memory_space<hbm>>
      tpu.enqueue_dma source(%dma_start3A_15 : memref<10000xi32, #tpu.memory_space<hbm>>) target(%arg5 : memref<10000xi32, #tpu.memory_space<vmem>>) target_semaphore(%run_scoped3A : memref<!tpu.dma_semaphore, #tpu.memory_space<semaphore_mem>>)
      %dma_wait3A = tpu.memref_slice %arg2[%multiple_of3A] : memref<320000xi32, #tpu.memory_space<hbm>> -> memref<10000xi32, #tpu.memory_space<hbm>>
      %dma_wait3A_16 = tpu.memref_slice %arg2[%multiple_of3A] : memref<320000xi32, #tpu.memory_space<hbm>> -> memref<10000xi32, #tpu.memory_space<hbm>>
      tpu.wait_dma2 semaphore(%run_scoped3A : memref<!tpu.dma_semaphore, #tpu.memory_space<semaphore_mem>>) src(%dma_wait3A_16 : memref<10000xi32, #tpu.memory_space<hbm>>) dst(%arg5 : memref<10000xi32, #tpu.memory_space<vmem>>)
      tpu.yield
    }) : () -> ()
    %mul3A_7 = arith.constant 640 : i32
    %mul3A_8 = arith.muli %arg1, %mul3A_7 : i32
    "tpu.region"() ({
      %run_scoped3A = tpu.sem_alloc : memref<!tpu.dma_semaphore, #tpu.memory_space<semaphore_mem>>
      %dma_start3A = tpu.memref_slice %arg7[%mul3A_8] : memref<10240xf32, #tpu.memory_space<vmem_shared>> -> memref<640xf32, #tpu.memory_space<vmem_shared>>
      %dma_start3A_15 = tpu.memref_slice %arg3[%mul3A_8] : memref<10240xf32, #tpu.memory_space<hbm>> -> memref<640xf32, #tpu.memory_space<hbm>>
      tpu.enqueue_dma source(%dma_start3A_15 : memref<640xf32, #tpu.memory_space<hbm>>) target(%dma_start3A : memref<640xf32, #tpu.memory_space<vmem_shared>>) target_semaphore(%run_scoped3A : memref<!tpu.dma_semaphore, #tpu.memory_space<semaphore_mem>>)
      %dma_wait3A = tpu.memref_slice %arg7[%mul3A_8] : memref<10240xf32, #tpu.memory_space<vmem_shared>> -> memref<640xf32, #tpu.memory_space<vmem_shared>>
      %dma_wait3A_16 = tpu.memref_slice %arg3[%mul3A_8] : memref<10240xf32, #tpu.memory_space<hbm>> -> memref<640xf32, #tpu.memory_space<hbm>>
      tpu.wait_dma2 semaphore(%run_scoped3A : memref<!tpu.dma_semaphore, #tpu.memory_space<semaphore_mem>>) src(%dma_wait3A_16 : memref<640xf32, #tpu.memory_space<hbm>>) dst(%dma_wait3A : memref<640xf32, #tpu.memory_space<vmem_shared>>)
      tpu.yield
    }) : () -> ()
    %barrier3A = arith.constant 0 : index
    tpu.barrier barrier_id(%barrier3A)
    %scan3A_9 = arith.constant 0 : i32
    %scan3A_10 = arith.constant 50 : i32
    %scan3A_11 = arith.addi %scan3A_9, %scan3A_10 : i32
    %scan3A_12 = arith.constant 1 : i32
    scf.for %scan3A_15 = %scan3A_9 to %scan3A_11 step %scan3A_12  : i32 {
      %mul3A_16 = arith.constant 200 : i32
      %mul3A_17 = arith.muli %scan3A_15, %mul3A_16 : i32
      "tpu.region"() ({
        %run_scoped3A = tpu.sem_alloc : memref<!tpu.dma_semaphore, #tpu.memory_space<semaphore_mem>>
        %dma_start3A = tpu.memref_slice %arg5[%mul3A_17] : memref<10000xi32, #tpu.memory_space<vmem>> -> memref<200xi32, #tpu.memory_space<vmem>>
        %dma_start3A_18 = arith.constant 0 : i32
        %dma_start3A_19 = tpu.memref_slice %arg7[%dma_start3A_18] : memref<10240xf32, #tpu.memory_space<vmem_shared>> -> memref<10240xf32, #tpu.memory_space<vmem_shared>>
        tpu.enqueue_indirect_dma source(%arg6 : memref<200xf32, #tpu.memory_space<vmem>>) target(%dma_start3A_19 : memref<10240xf32, #tpu.memory_space<vmem_shared>>) offsets(%dma_start3A : memref<200xi32, #tpu.memory_space<vmem>>) semaphore(%run_scoped3A : memref<!tpu.dma_semaphore, #tpu.memory_space<semaphore_mem>>) {add = true}
        %dma_wait3A = tpu.memref_slice %arg5[%mul3A_17] : memref<10000xi32, #tpu.memory_space<vmem>> -> memref<200xi32, #tpu.memory_space<vmem>>
        %dma_wait3A_20 = arith.constant 0 : i32
        %dma_wait3A_21 = tpu.memref_slice %arg7[%dma_wait3A_20] : memref<10240xf32, #tpu.memory_space<vmem_shared>> -> memref<10240xf32, #tpu.memory_space<vmem_shared>>
        tpu.wait_indirect_dma semaphore(%run_scoped3A : memref<!tpu.dma_semaphore, #tpu.memory_space<semaphore_mem>>) src(%arg6 : memref<200xf32, #tpu.memory_space<vmem>>) dst(%dma_wait3A_21 : memref<10240xf32, #tpu.memory_space<vmem_shared>>)
        tpu.yield
      }) : () -> ()
    }
    %scan3A_13 = arith.constant 50 : i32
    %barrier3A_14 = arith.constant 0 : index
    tpu.barrier barrier_id(%barrier3A_14)
    "tpu.region"() ({
      %run_scoped3A = tpu.sem_alloc : memref<!tpu.dma_semaphore, #tpu.memory_space<semaphore_mem>>
      %dma_start3A = tpu.memref_slice %arg4[%arg0, %mul3A_8] : memref<2x10240xf32, #tpu.memory_space<hbm>> -> memref<1x640xf32, #tpu.memory_space<hbm>>
      %dma_start3A_15 = tpu.memref_squeeze %dma_start3A : memref<1x640xf32, #tpu.memory_space<hbm>> -> memref<640xf32, #tpu.memory_space<hbm>>
      %dma_start3A_16 = tpu.memref_slice %arg7[%mul3A_8] : memref<10240xf32, #tpu.memory_space<vmem_shared>> -> memref<640xf32, #tpu.memory_space<vmem_shared>>
      tpu.enqueue_dma source(%dma_start3A_16 : memref<640xf32, #tpu.memory_space<vmem_shared>>) target(%dma_start3A_15 : memref<640xf32, #tpu.memory_space<hbm>>) target_semaphore(%run_scoped3A : memref<!tpu.dma_semaphore, #tpu.memory_space<semaphore_mem>>)
      %dma_wait3A = tpu.memref_slice %arg4[%arg0, %mul3A_8] : memref<2x10240xf32, #tpu.memory_space<hbm>> -> memref<1x640xf32, #tpu.memory_space<hbm>>
      %dma_wait3A_17 = tpu.memref_squeeze %dma_wait3A : memref<1x640xf32, #tpu.memory_space<hbm>> -> memref<640xf32, #tpu.memory_space<hbm>>
      %dma_wait3A_18 = tpu.memref_slice %arg7[%mul3A_8] : memref<10240xf32, #tpu.memory_space<vmem_shared>> -> memref<640xf32, #tpu.memory_space<vmem_shared>>
      tpu.wait_dma2 semaphore(%run_scoped3A : memref<!tpu.dma_semaphore, #tpu.memory_space<semaphore_mem>>) src(%dma_wait3A_18 : memref<640xf32, #tpu.memory_space<vmem_shared>>) dst(%dma_wait3A_17 : memref<640xf32, #tpu.memory_space<hbm>>)
      tpu.yield
    }) : () -> ()
    return
  }
}

#map = affine_map<(d0, d1) -> (0, 0)>
#map1 = affine_map<(d0, d1) -> (0)>
#map2 = affine_map<(d0, d1) -> (0, 0, 0)>
module attributes {stable_mosaic.version = 14 : i64} {
  func.func @_sc_message_pass(%arg0: i32, %arg1: i32, %arg2: memref<10240x128xf32, #tpu.memory_space<hbm>>, %arg3: memref<320000xi32, #tpu.memory_space<hbm>>, %arg4: memref<320000xi32, #tpu.memory_space<hbm>>, %arg5: memref<10240x128xf32, #tpu.memory_space<hbm>>, %arg6: memref<2x10240x128xf32, #tpu.memory_space<hbm>>, %arg7: memref<10000xi32, #tpu.memory_space<vmem>>, %arg8: memref<10000xi32, #tpu.memory_space<vmem>>, %arg9: memref<80x128xf32, #tpu.memory_space<vmem>>, %arg10: memref<80x128xf32, #tpu.memory_space<vmem>>, %arg11: memref<10240x128xf32, #tpu.memory_space<vmem_shared>>, %arg12: memref<!tpu.dma_semaphore, #tpu.memory_space<semaphore_mem>>, %arg13: memref<!tpu.dma_semaphore, #tpu.memory_space<semaphore_mem>>) attributes {dimension_semantics = [#tpu.dimension_semantics<core_parallel>, #tpu.dimension_semantics<subcore_parallel>], iteration_bounds = array<i64: 2, 16>, scalar_prefetch = 0 : i64, scratch_operands = 7 : i64, tpu.core_type = #tpu.core_type<sc_vector_subcore>, window_params = [{transform_indices = #map}, {transform_indices = #map1}, {transform_indices = #map1}, {transform_indices = #map}, {transform_indices = #map2}]} {
    %mul3A = arith.constant 2 : i32
    %mul3A_0 = arith.muli %arg1, %mul3A : i32
    %add3A = arith.addi %mul3A_0, %arg0 : i32
    %mul3A_1 = arith.constant 10000 : i32
    %mul3A_2 = arith.muli %add3A, %mul3A_1 : i32
    %multiple_of3A = tpu.assume_multiple %mul3A_2, 8 : i32
    "tpu.region"() ({
      %run_scoped3A = tpu.sem_alloc : memref<!tpu.dma_semaphore, #tpu.memory_space<semaphore_mem>>
      %dma_start3A_24 = tpu.memref_slice %arg3[%multiple_of3A] : memref<320000xi32, #tpu.memory_space<hbm>> -> memref<10000xi32, #tpu.memory_space<hbm>>
      %dma_start3A_25 = tpu.memref_slice %arg3[%multiple_of3A] : memref<320000xi32, #tpu.memory_space<hbm>> -> memref<10000xi32, #tpu.memory_space<hbm>>
      tpu.enqueue_dma source(%dma_start3A_25 : memref<10000xi32, #tpu.memory_space<hbm>>) target(%arg7 : memref<10000xi32, #tpu.memory_space<vmem>>) target_semaphore(%run_scoped3A : memref<!tpu.dma_semaphore, #tpu.memory_space<semaphore_mem>>)
      %dma_wait3A_26 = tpu.memref_slice %arg3[%multiple_of3A] : memref<320000xi32, #tpu.memory_space<hbm>> -> memref<10000xi32, #tpu.memory_space<hbm>>
      %dma_wait3A_27 = tpu.memref_slice %arg3[%multiple_of3A] : memref<320000xi32, #tpu.memory_space<hbm>> -> memref<10000xi32, #tpu.memory_space<hbm>>
      tpu.wait_dma2 semaphore(%run_scoped3A : memref<!tpu.dma_semaphore, #tpu.memory_space<semaphore_mem>>) src(%dma_wait3A_27 : memref<10000xi32, #tpu.memory_space<hbm>>) dst(%arg7 : memref<10000xi32, #tpu.memory_space<vmem>>)
      tpu.yield
    }) : () -> ()
    "tpu.region"() ({
      %run_scoped3A = tpu.sem_alloc : memref<!tpu.dma_semaphore, #tpu.memory_space<semaphore_mem>>
      %dma_start3A_24 = tpu.memref_slice %arg4[%multiple_of3A] : memref<320000xi32, #tpu.memory_space<hbm>> -> memref<10000xi32, #tpu.memory_space<hbm>>
      %dma_start3A_25 = tpu.memref_slice %arg4[%multiple_of3A] : memref<320000xi32, #tpu.memory_space<hbm>> -> memref<10000xi32, #tpu.memory_space<hbm>>
      tpu.enqueue_dma source(%dma_start3A_25 : memref<10000xi32, #tpu.memory_space<hbm>>) target(%arg8 : memref<10000xi32, #tpu.memory_space<vmem>>) target_semaphore(%run_scoped3A : memref<!tpu.dma_semaphore, #tpu.memory_space<semaphore_mem>>)
      %dma_wait3A_26 = tpu.memref_slice %arg4[%multiple_of3A] : memref<320000xi32, #tpu.memory_space<hbm>> -> memref<10000xi32, #tpu.memory_space<hbm>>
      %dma_wait3A_27 = tpu.memref_slice %arg4[%multiple_of3A] : memref<320000xi32, #tpu.memory_space<hbm>> -> memref<10000xi32, #tpu.memory_space<hbm>>
      tpu.wait_dma2 semaphore(%run_scoped3A : memref<!tpu.dma_semaphore, #tpu.memory_space<semaphore_mem>>) src(%dma_wait3A_27 : memref<10000xi32, #tpu.memory_space<hbm>>) dst(%arg8 : memref<10000xi32, #tpu.memory_space<vmem>>)
      tpu.yield
    }) : () -> ()
    %mul3A_3 = arith.constant 640 : i32
    %mul3A_4 = arith.muli %arg1, %mul3A_3 : i32
    %eq3A = arith.constant 0 : i32
    %eq3A_5 = arith.cmpi eq, %arg0, %eq3A : i32
    %convert_element_type3A = arith.extui %eq3A_5 : i1 to i32
    %cond3A = arith.constant 0 : i32
    %cond3A_6 = arith.cmpi ne, %convert_element_type3A, %cond3A : i32
    scf.if %cond3A_6 {
      "tpu.region"() ({
        %run_scoped3A = tpu.sem_alloc : memref<!tpu.dma_semaphore, #tpu.memory_space<semaphore_mem>>
        %dma_start3A_24 = arith.constant 0 : i32
        %dma_start3A_25 = tpu.memref_slice %arg11[%mul3A_4, %dma_start3A_24] : memref<10240x128xf32, #tpu.memory_space<vmem_shared>> -> memref<640x128xf32, #tpu.memory_space<vmem_shared>>
        %dma_start3A_26 = arith.constant 0 : i32
        %dma_start3A_27 = tpu.memref_slice %arg2[%mul3A_4, %dma_start3A_26] : memref<10240x128xf32, #tpu.memory_space<hbm>> -> memref<640x128xf32, #tpu.memory_space<hbm>>
        tpu.enqueue_dma source(%dma_start3A_27 : memref<640x128xf32, #tpu.memory_space<hbm>>) target(%dma_start3A_25 : memref<640x128xf32, #tpu.memory_space<vmem_shared>>) target_semaphore(%run_scoped3A : memref<!tpu.dma_semaphore, #tpu.memory_space<semaphore_mem>>)
        %dma_wait3A_28 = arith.constant 0 : i32
        %dma_wait3A_29 = tpu.memref_slice %arg11[%mul3A_4, %dma_wait3A_28] : memref<10240x128xf32, #tpu.memory_space<vmem_shared>> -> memref<640x128xf32, #tpu.memory_space<vmem_shared>>
        %dma_wait3A_30 = arith.constant 0 : i32
        %dma_wait3A_31 = tpu.memref_slice %arg2[%mul3A_4, %dma_wait3A_30] : memref<10240x128xf32, #tpu.memory_space<hbm>> -> memref<640x128xf32, #tpu.memory_space<hbm>>
        tpu.wait_dma2 semaphore(%run_scoped3A : memref<!tpu.dma_semaphore, #tpu.memory_space<semaphore_mem>>) src(%dma_wait3A_31 : memref<640x128xf32, #tpu.memory_space<hbm>>) dst(%dma_wait3A_29 : memref<640x128xf32, #tpu.memory_space<vmem_shared>>)
        tpu.yield
      }) : () -> ()
    } else {
    }
    %ne3A = arith.constant 0 : i32
    %ne3A_7 = arith.cmpi ne, %arg0, %ne3A : i32
    %convert_element_type3A_8 = arith.extui %ne3A_7 : i1 to i32
    %cond3A_9 = arith.constant 0 : i32
    %cond3A_10 = arith.cmpi ne, %convert_element_type3A_8, %cond3A_9 : i32
    scf.if %cond3A_10 {
      "tpu.region"() ({
        %run_scoped3A = tpu.sem_alloc : memref<!tpu.dma_semaphore, #tpu.memory_space<semaphore_mem>>
        %dma_start3A_24 = arith.constant 0 : i32
        %dma_start3A_25 = tpu.memref_slice %arg11[%mul3A_4, %dma_start3A_24] : memref<10240x128xf32, #tpu.memory_space<vmem_shared>> -> memref<640x128xf32, #tpu.memory_space<vmem_shared>>
        %dma_start3A_26 = arith.constant 0 : i32
        %dma_start3A_27 = tpu.memref_slice %arg5[%mul3A_4, %dma_start3A_26] : memref<10240x128xf32, #tpu.memory_space<hbm>> -> memref<640x128xf32, #tpu.memory_space<hbm>>
        tpu.enqueue_dma source(%dma_start3A_27 : memref<640x128xf32, #tpu.memory_space<hbm>>) target(%dma_start3A_25 : memref<640x128xf32, #tpu.memory_space<vmem_shared>>) target_semaphore(%run_scoped3A : memref<!tpu.dma_semaphore, #tpu.memory_space<semaphore_mem>>)
        %dma_wait3A_28 = arith.constant 0 : i32
        %dma_wait3A_29 = tpu.memref_slice %arg11[%mul3A_4, %dma_wait3A_28] : memref<10240x128xf32, #tpu.memory_space<vmem_shared>> -> memref<640x128xf32, #tpu.memory_space<vmem_shared>>
        %dma_wait3A_30 = arith.constant 0 : i32
        %dma_wait3A_31 = tpu.memref_slice %arg5[%mul3A_4, %dma_wait3A_30] : memref<10240x128xf32, #tpu.memory_space<hbm>> -> memref<640x128xf32, #tpu.memory_space<hbm>>
        tpu.wait_dma2 semaphore(%run_scoped3A : memref<!tpu.dma_semaphore, #tpu.memory_space<semaphore_mem>>) src(%dma_wait3A_31 : memref<640x128xf32, #tpu.memory_space<hbm>>) dst(%dma_wait3A_29 : memref<640x128xf32, #tpu.memory_space<vmem_shared>>)
        tpu.yield
      }) : () -> ()
    } else {
    }
    %barrier3A = arith.constant 0 : index
    tpu.barrier barrier_id(%barrier3A)
    %dma_start3A = arith.constant 0 : i32
    %dma_start3A_11 = tpu.memref_slice %arg7[%dma_start3A] : memref<10000xi32, #tpu.memory_space<vmem>> -> memref<80xi32, #tpu.memory_space<vmem>>
    %dma_start3A_12 = arith.constant 0 : i32
    %dma_start3A_13 = arith.constant 0 : i32
    %dma_start3A_14 = tpu.memref_slice %arg2[%dma_start3A_12, %dma_start3A_13] : memref<10240x128xf32, #tpu.memory_space<hbm>> -> memref<10240x128xf32, #tpu.memory_space<hbm>>
    tpu.enqueue_indirect_dma source(%dma_start3A_14 : memref<10240x128xf32, #tpu.memory_space<hbm>>) target(%arg9 : memref<80x128xf32, #tpu.memory_space<vmem>>) offsets(%dma_start3A_11 : memref<80xi32, #tpu.memory_space<vmem>>) semaphore(%arg12 : memref<!tpu.dma_semaphore, #tpu.memory_space<semaphore_mem>>)
    %scan3A = arith.constant 0 : i32
    %scan3A_15 = arith.constant 62 : i32
    %scan3A_16 = arith.addi %scan3A, %scan3A_15 : i32
    %scan3A_17 = arith.constant 1 : i32
    scf.for %scan3A_24 = %scan3A to %scan3A_16 step %scan3A_17  : i32 {
      %mul3A_25 = arith.constant 2 : i32
      %mul3A_26 = arith.muli %mul3A_25, %scan3A_24 : i32
      %add3A_27 = arith.constant 1 : i32
      %add3A_28 = arith.addi %mul3A_26, %add3A_27 : i32
      %mul3A_29 = arith.constant 80 : i32
      %mul3A_30 = arith.muli %add3A_28, %mul3A_29 : i32
      %dma_start3A_31 = tpu.memref_slice %arg7[%mul3A_30] : memref<10000xi32, #tpu.memory_space<vmem>> -> memref<80xi32, #tpu.memory_space<vmem>>
      %dma_start3A_32 = arith.constant 0 : i32
      %dma_start3A_33 = arith.constant 0 : i32
      %dma_start3A_34 = tpu.memref_slice %arg2[%dma_start3A_32, %dma_start3A_33] : memref<10240x128xf32, #tpu.memory_space<hbm>> -> memref<10240x128xf32, #tpu.memory_space<hbm>>
      tpu.enqueue_indirect_dma source(%dma_start3A_34 : memref<10240x128xf32, #tpu.memory_space<hbm>>) target(%arg10 : memref<80x128xf32, #tpu.memory_space<vmem>>) offsets(%dma_start3A_31 : memref<80xi32, #tpu.memory_space<vmem>>) semaphore(%arg13 : memref<!tpu.dma_semaphore, #tpu.memory_space<semaphore_mem>>)
      %mul3A_35 = arith.constant 2 : i32
      %mul3A_36 = arith.muli %mul3A_35, %scan3A_24 : i32
      %mul3A_37 = arith.constant 80 : i32
      %mul3A_38 = arith.muli %mul3A_36, %mul3A_37 : i32
      %dma_wait3A_39 = tpu.memref_slice %arg7[%mul3A_38] : memref<10000xi32, #tpu.memory_space<vmem>> -> memref<80xi32, #tpu.memory_space<vmem>>
      %dma_wait3A_40 = arith.constant 0 : i32
      %dma_wait3A_41 = arith.constant 0 : i32
      %dma_wait3A_42 = tpu.memref_slice %arg2[%dma_wait3A_40, %dma_wait3A_41] : memref<10240x128xf32, #tpu.memory_space<hbm>> -> memref<10240x128xf32, #tpu.memory_space<hbm>>
      tpu.wait_indirect_dma semaphore(%arg12 : memref<!tpu.dma_semaphore, #tpu.memory_space<semaphore_mem>>) src(%dma_wait3A_42 : memref<10240x128xf32, #tpu.memory_space<hbm>>) dst(%arg9 : memref<80x128xf32, #tpu.memory_space<vmem>>)
      %mul3A_43 = arith.constant 2 : i32
      %mul3A_44 = arith.muli %mul3A_43, %scan3A_24 : i32
      %mul3A_45 = arith.constant 80 : i32
      %mul3A_46 = arith.muli %mul3A_44, %mul3A_45 : i32
      "tpu.region"() ({
        %run_scoped3A = tpu.sem_alloc : memref<!tpu.dma_semaphore, #tpu.memory_space<semaphore_mem>>
        %dma_start3A_73 = tpu.memref_slice %arg8[%mul3A_46] : memref<10000xi32, #tpu.memory_space<vmem>> -> memref<80xi32, #tpu.memory_space<vmem>>
        %dma_start3A_74 = arith.constant 0 : i32
        %dma_start3A_75 = arith.constant 0 : i32
        %dma_start3A_76 = tpu.memref_slice %arg11[%dma_start3A_74, %dma_start3A_75] : memref<10240x128xf32, #tpu.memory_space<vmem_shared>> -> memref<10240x128xf32, #tpu.memory_space<vmem_shared>>
        tpu.enqueue_indirect_dma source(%arg9 : memref<80x128xf32, #tpu.memory_space<vmem>>) target(%dma_start3A_76 : memref<10240x128xf32, #tpu.memory_space<vmem_shared>>) offsets(%dma_start3A_73 : memref<80xi32, #tpu.memory_space<vmem>>) semaphore(%run_scoped3A : memref<!tpu.dma_semaphore, #tpu.memory_space<semaphore_mem>>) {add = true}
        %dma_wait3A_77 = tpu.memref_slice %arg8[%mul3A_46] : memref<10000xi32, #tpu.memory_space<vmem>> -> memref<80xi32, #tpu.memory_space<vmem>>
        %dma_wait3A_78 = arith.constant 0 : i32
        %dma_wait3A_79 = arith.constant 0 : i32
        %dma_wait3A_80 = tpu.memref_slice %arg11[%dma_wait3A_78, %dma_wait3A_79] : memref<10240x128xf32, #tpu.memory_space<vmem_shared>> -> memref<10240x128xf32, #tpu.memory_space<vmem_shared>>
        tpu.wait_indirect_dma semaphore(%run_scoped3A : memref<!tpu.dma_semaphore, #tpu.memory_space<semaphore_mem>>) src(%arg9 : memref<80x128xf32, #tpu.memory_space<vmem>>) dst(%dma_wait3A_80 : memref<10240x128xf32, #tpu.memory_space<vmem_shared>>)
        tpu.yield
      }) : () -> ()
      %mul3A_47 = arith.constant 2 : i32
      %mul3A_48 = arith.muli %mul3A_47, %scan3A_24 : i32
      %add3A_49 = arith.constant 2 : i32
      %add3A_50 = arith.addi %mul3A_48, %add3A_49 : i32
      %mul3A_51 = arith.constant 80 : i32
      %mul3A_52 = arith.muli %add3A_50, %mul3A_51 : i32
      %dma_start3A_53 = tpu.memref_slice %arg7[%mul3A_52] : memref<10000xi32, #tpu.memory_space<vmem>> -> memref<80xi32, #tpu.memory_space<vmem>>
      %dma_start3A_54 = arith.constant 0 : i32
      %dma_start3A_55 = arith.constant 0 : i32
      %dma_start3A_56 = tpu.memref_slice %arg2[%dma_start3A_54, %dma_start3A_55] : memref<10240x128xf32, #tpu.memory_space<hbm>> -> memref<10240x128xf32, #tpu.memory_space<hbm>>
      tpu.enqueue_indirect_dma source(%dma_start3A_56 : memref<10240x128xf32, #tpu.memory_space<hbm>>) target(%arg9 : memref<80x128xf32, #tpu.memory_space<vmem>>) offsets(%dma_start3A_53 : memref<80xi32, #tpu.memory_space<vmem>>) semaphore(%arg12 : memref<!tpu.dma_semaphore, #tpu.memory_space<semaphore_mem>>)
      %mul3A_57 = arith.constant 2 : i32
      %mul3A_58 = arith.muli %mul3A_57, %scan3A_24 : i32
      %add3A_59 = arith.constant 1 : i32
      %add3A_60 = arith.addi %mul3A_58, %add3A_59 : i32
      %mul3A_61 = arith.constant 80 : i32
      %mul3A_62 = arith.muli %add3A_60, %mul3A_61 : i32
      %dma_wait3A_63 = tpu.memref_slice %arg7[%mul3A_62] : memref<10000xi32, #tpu.memory_space<vmem>> -> memref<80xi32, #tpu.memory_space<vmem>>
      %dma_wait3A_64 = arith.constant 0 : i32
      %dma_wait3A_65 = arith.constant 0 : i32
      %dma_wait3A_66 = tpu.memref_slice %arg2[%dma_wait3A_64, %dma_wait3A_65] : memref<10240x128xf32, #tpu.memory_space<hbm>> -> memref<10240x128xf32, #tpu.memory_space<hbm>>
      tpu.wait_indirect_dma semaphore(%arg13 : memref<!tpu.dma_semaphore, #tpu.memory_space<semaphore_mem>>) src(%dma_wait3A_66 : memref<10240x128xf32, #tpu.memory_space<hbm>>) dst(%arg10 : memref<80x128xf32, #tpu.memory_space<vmem>>)
      %mul3A_67 = arith.constant 2 : i32
      %mul3A_68 = arith.muli %mul3A_67, %scan3A_24 : i32
      %add3A_69 = arith.constant 1 : i32
      %add3A_70 = arith.addi %mul3A_68, %add3A_69 : i32
      %mul3A_71 = arith.constant 80 : i32
      %mul3A_72 = arith.muli %add3A_70, %mul3A_71 : i32
      "tpu.region"() ({
        %run_scoped3A = tpu.sem_alloc : memref<!tpu.dma_semaphore, #tpu.memory_space<semaphore_mem>>
        %dma_start3A_73 = tpu.memref_slice %arg8[%mul3A_72] : memref<10000xi32, #tpu.memory_space<vmem>> -> memref<80xi32, #tpu.memory_space<vmem>>
        %dma_start3A_74 = arith.constant 0 : i32
        %dma_start3A_75 = arith.constant 0 : i32
        %dma_start3A_76 = tpu.memref_slice %arg11[%dma_start3A_74, %dma_start3A_75] : memref<10240x128xf32, #tpu.memory_space<vmem_shared>> -> memref<10240x128xf32, #tpu.memory_space<vmem_shared>>
        tpu.enqueue_indirect_dma source(%arg10 : memref<80x128xf32, #tpu.memory_space<vmem>>) target(%dma_start3A_76 : memref<10240x128xf32, #tpu.memory_space<vmem_shared>>) offsets(%dma_start3A_73 : memref<80xi32, #tpu.memory_space<vmem>>) semaphore(%run_scoped3A : memref<!tpu.dma_semaphore, #tpu.memory_space<semaphore_mem>>) {add = true}
        %dma_wait3A_77 = tpu.memref_slice %arg8[%mul3A_72] : memref<10000xi32, #tpu.memory_space<vmem>> -> memref<80xi32, #tpu.memory_space<vmem>>
        %dma_wait3A_78 = arith.constant 0 : i32
        %dma_wait3A_79 = arith.constant 0 : i32
        %dma_wait3A_80 = tpu.memref_slice %arg11[%dma_wait3A_78, %dma_wait3A_79] : memref<10240x128xf32, #tpu.memory_space<vmem_shared>> -> memref<10240x128xf32, #tpu.memory_space<vmem_shared>>
        tpu.wait_indirect_dma semaphore(%run_scoped3A : memref<!tpu.dma_semaphore, #tpu.memory_space<semaphore_mem>>) src(%arg10 : memref<80x128xf32, #tpu.memory_space<vmem>>) dst(%dma_wait3A_80 : memref<10240x128xf32, #tpu.memory_space<vmem_shared>>)
        tpu.yield
      }) : () -> ()
    }
    %scan3A_18 = arith.constant 62 : i32
    %dma_wait3A = arith.constant 9920 : i32
    %dma_wait3A_19 = tpu.memref_slice %arg7[%dma_wait3A] : memref<10000xi32, #tpu.memory_space<vmem>> -> memref<80xi32, #tpu.memory_space<vmem>>
    %dma_wait3A_20 = arith.constant 0 : i32
    %dma_wait3A_21 = arith.constant 0 : i32
    %dma_wait3A_22 = tpu.memref_slice %arg2[%dma_wait3A_20, %dma_wait3A_21] : memref<10240x128xf32, #tpu.memory_space<hbm>> -> memref<10240x128xf32, #tpu.memory_space<hbm>>
    tpu.wait_indirect_dma semaphore(%arg12 : memref<!tpu.dma_semaphore, #tpu.memory_space<semaphore_mem>>) src(%dma_wait3A_22 : memref<10240x128xf32, #tpu.memory_space<hbm>>) dst(%arg9 : memref<80x128xf32, #tpu.memory_space<vmem>>)
    "tpu.region"() ({
      %run_scoped3A = tpu.sem_alloc : memref<!tpu.dma_semaphore, #tpu.memory_space<semaphore_mem>>
      %dma_start3A_24 = arith.constant 9920 : i32
      %dma_start3A_25 = tpu.memref_slice %arg8[%dma_start3A_24] : memref<10000xi32, #tpu.memory_space<vmem>> -> memref<80xi32, #tpu.memory_space<vmem>>
      %dma_start3A_26 = arith.constant 0 : i32
      %dma_start3A_27 = arith.constant 0 : i32
      %dma_start3A_28 = tpu.memref_slice %arg11[%dma_start3A_26, %dma_start3A_27] : memref<10240x128xf32, #tpu.memory_space<vmem_shared>> -> memref<10240x128xf32, #tpu.memory_space<vmem_shared>>
      tpu.enqueue_indirect_dma source(%arg9 : memref<80x128xf32, #tpu.memory_space<vmem>>) target(%dma_start3A_28 : memref<10240x128xf32, #tpu.memory_space<vmem_shared>>) offsets(%dma_start3A_25 : memref<80xi32, #tpu.memory_space<vmem>>) semaphore(%run_scoped3A : memref<!tpu.dma_semaphore, #tpu.memory_space<semaphore_mem>>) {add = true}
      %dma_wait3A_29 = arith.constant 9920 : i32
      %dma_wait3A_30 = tpu.memref_slice %arg8[%dma_wait3A_29] : memref<10000xi32, #tpu.memory_space<vmem>> -> memref<80xi32, #tpu.memory_space<vmem>>
      %dma_wait3A_31 = arith.constant 0 : i32
      %dma_wait3A_32 = arith.constant 0 : i32
      %dma_wait3A_33 = tpu.memref_slice %arg11[%dma_wait3A_31, %dma_wait3A_32] : memref<10240x128xf32, #tpu.memory_space<vmem_shared>> -> memref<10240x128xf32, #tpu.memory_space<vmem_shared>>
      tpu.wait_indirect_dma semaphore(%run_scoped3A : memref<!tpu.dma_semaphore, #tpu.memory_space<semaphore_mem>>) src(%arg9 : memref<80x128xf32, #tpu.memory_space<vmem>>) dst(%dma_wait3A_33 : memref<10240x128xf32, #tpu.memory_space<vmem_shared>>)
      tpu.yield
    }) : () -> ()
    %barrier3A_23 = arith.constant 0 : index
    tpu.barrier barrier_id(%barrier3A_23)
    "tpu.region"() ({
      %run_scoped3A = tpu.sem_alloc : memref<!tpu.dma_semaphore, #tpu.memory_space<semaphore_mem>>
      %dma_start3A_24 = arith.constant 0 : i32
      %dma_start3A_25 = tpu.memref_slice %arg6[%arg0, %mul3A_4, %dma_start3A_24] : memref<2x10240x128xf32, #tpu.memory_space<hbm>> -> memref<1x640x128xf32, #tpu.memory_space<hbm>>
      %dma_start3A_26 = tpu.memref_squeeze %dma_start3A_25 : memref<1x640x128xf32, #tpu.memory_space<hbm>> -> memref<640x128xf32, #tpu.memory_space<hbm>>
      %dma_start3A_27 = arith.constant 0 : i32
      %dma_start3A_28 = tpu.memref_slice %arg11[%mul3A_4, %dma_start3A_27] : memref<10240x128xf32, #tpu.memory_space<vmem_shared>> -> memref<640x128xf32, #tpu.memory_space<vmem_shared>>
      tpu.enqueue_dma source(%dma_start3A_28 : memref<640x128xf32, #tpu.memory_space<vmem_shared>>) target(%dma_start3A_26 : memref<640x128xf32, #tpu.memory_space<hbm>>) target_semaphore(%run_scoped3A : memref<!tpu.dma_semaphore, #tpu.memory_space<semaphore_mem>>)
      %dma_wait3A_29 = arith.constant 0 : i32
      %dma_wait3A_30 = tpu.memref_slice %arg6[%arg0, %mul3A_4, %dma_wait3A_29] : memref<2x10240x128xf32, #tpu.memory_space<hbm>> -> memref<1x640x128xf32, #tpu.memory_space<hbm>>
      %dma_wait3A_31 = tpu.memref_squeeze %dma_wait3A_30 : memref<1x640x128xf32, #tpu.memory_space<hbm>> -> memref<640x128xf32, #tpu.memory_space<hbm>>
      %dma_wait3A_32 = arith.constant 0 : i32
      %dma_wait3A_33 = tpu.memref_slice %arg11[%mul3A_4, %dma_wait3A_32] : memref<10240x128xf32, #tpu.memory_space<vmem_shared>> -> memref<640x128xf32, #tpu.memory_space<vmem_shared>>
      tpu.wait_dma2 semaphore(%run_scoped3A : memref<!tpu.dma_semaphore, #tpu.memory_space<semaphore_mem>>) src(%dma_wait3A_33 : memref<640x128xf32, #tpu.memory_space<vmem_shared>>) dst(%dma_wait3A_31 : memref<640x128xf32, #tpu.memory_space<hbm>>)
      tpu.yield
    }) : () -> ()
    return
  }
}

module attributes {stable_mosaic.version = 14 : i64} {
  func.func @_tc1_body(%arg0: i32, %arg1: memref<1024x128xf32, #tpu.memory_space<vmem>>, %arg2: memref<128x128xf32, #tpu.memory_space<vmem>>, %arg3: memref<128x128xf32, #tpu.memory_space<vmem>>, %arg4: memref<1x128xf32, #tpu.memory_space<vmem>>, %arg5: memref<2x1024x1xf32, #tpu.memory_space<vmem>>, %arg6: memref<1024x128xf32, #tpu.memory_space<vmem>>, %arg7: memref<1024x128xf32, #tpu.memory_space<vmem>>) attributes {dimension_semantics = [#tpu.dimension_semantics<arbitrary>], iteration_bounds = array<i64: 10>, scalar_prefetch = 0 : i64, scratch_operands = 0 : i64, tpu.core_type = #tpu.core_type<tc>, window_params = [{transform_indices = @transform_0, window_bounds = array<i64: 1024, 128>}, {pipeline_mode = #tpu.pipeline_mode<synchronous>, transform_indices = @transform_1, window_bounds = array<i64: 128, 128>}, {pipeline_mode = #tpu.pipeline_mode<synchronous>, transform_indices = @transform_2, window_bounds = array<i64: 128, 128>}, {pipeline_mode = #tpu.pipeline_mode<synchronous>, transform_indices = @transform_3, window_bounds = array<i64: 1, 128>}, {transform_indices = @transform_4, window_bounds = array<i64: 2, 1024, 1>}, {transform_indices = @transform_5, window_bounds = array<i64: 1024, 128>}, {transform_indices = @transform_6, window_bounds = array<i64: 1024, 128>}]} {
    %get3A = arith.constant 0 : index
    %get3A_0 = arith.constant 0 : index
    %get3A_1 = vector.load %arg1[%get3A, %get3A_0] : memref<1024x128xf32, #tpu.memory_space<vmem>>, vector<1024x128xf32>
    %get3A_2 = arith.constant 0 : index
    %get3A_3 = arith.constant 0 : index
    %get3A_4 = arith.constant 0 : index
    %get3A_5 = vector.load %arg5[%get3A_2, %get3A_3, %get3A_4] : memref<2x1024x1xf32, #tpu.memory_space<vmem>>, vector<1x1024x1xf32>
    %get3A_6 = vector.shape_cast %get3A_5 : vector<1x1024x1xf32> to vector<1024x1xf32>
    %get3A_7 = arith.constant 1 : index
    %get3A_8 = arith.constant 0 : index
    %get3A_9 = arith.constant 0 : index
    %get3A_10 = vector.load %arg5[%get3A_7, %get3A_8, %get3A_9] : memref<2x1024x1xf32, #tpu.memory_space<vmem>>, vector<1x1024x1xf32>
    %get3A_11 = vector.shape_cast %get3A_10 : vector<1x1024x1xf32> to vector<1024x1xf32>
    %add3A = arith.addf %get3A_6, %get3A_11 : vector<1024x1xf32>
    %add3A_12 = arith.constant 1.000000e+00 : f32
    %add3A_13 = vector.broadcast %add3A_12 : f32 to vector<1024x1xf32>
    %add3A_14 = arith.addf %add3A, %add3A_13 : vector<1024x1xf32>
    %rsqrt3A = math.rsqrt %add3A_14 : vector<1024x1xf32>
    %get3A_15 = arith.constant 0 : index
    %get3A_16 = arith.constant 0 : index
    %get3A_17 = vector.load %arg2[%get3A_15, %get3A_16] : memref<128x128xf32, #tpu.memory_space<vmem>>, vector<128x128xf32>
    %dot_general3A = arith.constant dense<0.000000e+00> : vector<1024x128xf32>
    %dot_general3A_18 = tpu.matmul %get3A_1, %get3A_17, %dot_general3A {dimension_numbers = #tpu.dot_dimension_numbers<[1], [0], [0], [1], [0, 0, 1, 1], [], []>, precision = #tpu.contract_precision<fp32>, transpose_lhs_hint = false} : vector<1024x128xf32>, vector<128x128xf32>, vector<1024x128xf32> -> vector<1024x128xf32>
    %mul3A = vector.broadcast %rsqrt3A : vector<1024x1xf32> to vector<1024x128xf32>
    %mul3A_19 = arith.mulf %dot_general3A_18, %mul3A : vector<1024x128xf32>
    %swap3A = arith.constant 0 : index
    %swap3A_20 = arith.constant 0 : index
    %swap3A_21 = vector.load %arg6[%swap3A, %swap3A_20] : memref<1024x128xf32, #tpu.memory_space<vmem>>, vector<1024x128xf32>
    tpu.vector_store %arg6[%swap3A, %swap3A_20], %mul3A_19 {strides = array<i32>} : memref<1024x128xf32, #tpu.memory_space<vmem>>, vector<1024x128xf32>,
    %get3A_22 = arith.constant 0 : index
    %get3A_23 = arith.constant 0 : index
    %get3A_24 = vector.load %arg3[%get3A_22, %get3A_23] : memref<128x128xf32, #tpu.memory_space<vmem>>, vector<128x128xf32>
    %dot_general3A_25 = arith.constant dense<0.000000e+00> : vector<1024x128xf32>
    %dot_general3A_26 = tpu.matmul %get3A_1, %get3A_24, %dot_general3A_25 {dimension_numbers = #tpu.dot_dimension_numbers<[1], [0], [0], [1], [0, 0, 1, 1], [], []>, precision = #tpu.contract_precision<fp32>, transpose_lhs_hint = false} : vector<1024x128xf32>, vector<128x128xf32>, vector<1024x128xf32> -> vector<1024x128xf32>
    %get3A_27 = arith.constant 0 : index
    %get3A_28 = arith.constant 0 : index
    %get3A_29 = vector.load %arg4[%get3A_27, %get3A_28] : memref<1x128xf32, #tpu.memory_space<vmem>>, vector<1x128xf32>
    %add3A_30 = vector.broadcast %get3A_29 : vector<1x128xf32> to vector<1024x128xf32>
    %add3A_31 = arith.addf %dot_general3A_26, %add3A_30 : vector<1024x128xf32>
    %swap3A_32 = arith.constant 0 : index
    %swap3A_33 = arith.constant 0 : index
    %swap3A_34 = vector.load %arg7[%swap3A_32, %swap3A_33] : memref<1024x128xf32, #tpu.memory_space<vmem>>, vector<1024x128xf32>
    tpu.vector_store %arg7[%swap3A_32, %swap3A_33], %add3A_31 {strides = array<i32>} : memref<1024x128xf32, #tpu.memory_space<vmem>>, vector<1024x128xf32>,
    return
  }
  func.func @transform_0(%arg0: i32) -> (i32, i32) {
    %c0_i32 = arith.constant 0 : i32
    %c0_i32_0 = arith.constant 0 : i32
    return %arg0, %c0_i32 : i32, i32
  }
  func.func @transform_1(%arg0: i32) -> (i32, i32) {
    %c0_i32 = arith.constant 0 : i32
    %c0_i32_0 = arith.constant 0 : i32
    %c0_i32_1 = arith.constant 0 : i32
    return %c0_i32, %c0_i32_0 : i32, i32
  }
  func.func @transform_2(%arg0: i32) -> (i32, i32) {
    %c0_i32 = arith.constant 0 : i32
    %c0_i32_0 = arith.constant 0 : i32
    %c0_i32_1 = arith.constant 0 : i32
    return %c0_i32, %c0_i32_0 : i32, i32
  }
  func.func @transform_3(%arg0: i32) -> (i32, i32) {
    %c0_i32 = arith.constant 0 : i32
    %c0_i32_0 = arith.constant 0 : i32
    %c0_i32_1 = arith.constant 0 : i32
    return %c0_i32, %c0_i32_0 : i32, i32
  }
  func.func @transform_4(%arg0: i32) -> (i32, i32, i32) {
    %c0_i32 = arith.constant 0 : i32
    %c0_i32_0 = arith.constant 0 : i32
    %c0_i32_1 = arith.constant 0 : i32
    return %c0_i32, %arg0, %c0_i32_0 : i32, i32, i32
  }
  func.func @transform_5(%arg0: i32) -> (i32, i32) {
    %c0_i32 = arith.constant 0 : i32
    %c0_i32_0 = arith.constant 0 : i32
    return %arg0, %c0_i32 : i32, i32
  }
  func.func @transform_6(%arg0: i32) -> (i32, i32) {
    %c0_i32 = arith.constant 0 : i32
    %c0_i32_0 = arith.constant 0 : i32
    return %arg0, %c0_i32 : i32, i32
  }
}

module attributes {stable_mosaic.version = 14 : i64} {
  func.func @_tc_mid_body(%arg0: i32, %arg1: memref<2x1024x128xf32, #tpu.memory_space<vmem>>, %arg2: memref<2x1024x1xf32, #tpu.memory_space<vmem>>, %arg3: memref<1x128xf32, #tpu.memory_space<vmem>>, %arg4: memref<128x128xf32, #tpu.memory_space<vmem>>, %arg5: memref<1024x128xf32, #tpu.memory_space<vmem>>) attributes {dimension_semantics = [#tpu.dimension_semantics<arbitrary>], iteration_bounds = array<i64: 10>, scalar_prefetch = 0 : i64, scratch_operands = 0 : i64, tpu.core_type = #tpu.core_type<tc>, window_params = [{transform_indices = @transform_0, window_bounds = array<i64: 2, 1024, 128>}, {transform_indices = @transform_1, window_bounds = array<i64: 2, 1024, 1>}, {pipeline_mode = #tpu.pipeline_mode<synchronous>, transform_indices = @transform_2, window_bounds = array<i64: 1, 128>}, {pipeline_mode = #tpu.pipeline_mode<synchronous>, transform_indices = @transform_3, window_bounds = array<i64: 128, 128>}, {transform_indices = @transform_4, window_bounds = array<i64: 1024, 128>}]} {
    %get3A = arith.constant 0 : index
    %get3A_0 = arith.constant 0 : index
    %get3A_1 = arith.constant 0 : index
    %get3A_2 = vector.load %arg2[%get3A, %get3A_0, %get3A_1] : memref<2x1024x1xf32, #tpu.memory_space<vmem>>, vector<1x1024x1xf32>
    %get3A_3 = vector.shape_cast %get3A_2 : vector<1x1024x1xf32> to vector<1024x1xf32>
    %get3A_4 = arith.constant 1 : index
    %get3A_5 = arith.constant 0 : index
    %get3A_6 = arith.constant 0 : index
    %get3A_7 = vector.load %arg2[%get3A_4, %get3A_5, %get3A_6] : memref<2x1024x1xf32, #tpu.memory_space<vmem>>, vector<1x1024x1xf32>
    %get3A_8 = vector.shape_cast %get3A_7 : vector<1x1024x1xf32> to vector<1024x1xf32>
    %add3A = arith.addf %get3A_3, %get3A_8 : vector<1024x1xf32>
    %add3A_9 = arith.constant 1.000000e+00 : f32
    %add3A_10 = vector.broadcast %add3A_9 : f32 to vector<1024x1xf32>
    %add3A_11 = arith.addf %add3A, %add3A_10 : vector<1024x1xf32>
    %rsqrt3A = math.rsqrt %add3A_11 : vector<1024x1xf32>
    %get3A_12 = arith.constant 0 : index
    %get3A_13 = arith.constant 0 : index
    %get3A_14 = arith.constant 0 : index
    %get3A_15 = vector.load %arg1[%get3A_12, %get3A_13, %get3A_14] : memref<2x1024x128xf32, #tpu.memory_space<vmem>>, vector<1x1024x128xf32>
    %get3A_16 = vector.shape_cast %get3A_15 : vector<1x1024x128xf32> to vector<1024x128xf32>
    %get3A_17 = arith.constant 1 : index
    %get3A_18 = arith.constant 0 : index
    %get3A_19 = arith.constant 0 : index
    %get3A_20 = vector.load %arg1[%get3A_17, %get3A_18, %get3A_19] : memref<2x1024x128xf32, #tpu.memory_space<vmem>>, vector<1x1024x128xf32>
    %get3A_21 = vector.shape_cast %get3A_20 : vector<1x1024x128xf32> to vector<1024x128xf32>
    %add3A_22 = arith.addf %get3A_16, %get3A_21 : vector<1024x128xf32>
    %mul3A = vector.broadcast %rsqrt3A : vector<1024x1xf32> to vector<1024x128xf32>
    %mul3A_23 = arith.mulf %mul3A, %add3A_22 : vector<1024x128xf32>
    %get3A_24 = arith.constant 0 : index
    %get3A_25 = arith.constant 0 : index
    %get3A_26 = vector.load %arg3[%get3A_24, %get3A_25] : memref<1x128xf32, #tpu.memory_space<vmem>>, vector<1x128xf32>
    %add3A_27 = vector.broadcast %get3A_26 : vector<1x128xf32> to vector<1024x128xf32>
    %add3A_28 = arith.addf %mul3A_23, %add3A_27 : vector<1024x128xf32>
    %max3A = arith.constant 0.000000e+00 : f32
    %max3A_29 = vector.broadcast %max3A : f32 to vector<1024x128xf32>
    %max3A_30 = arith.maximumf %add3A_28, %max3A_29 : vector<1024x128xf32>
    %get3A_31 = arith.constant 0 : index
    %get3A_32 = arith.constant 0 : index
    %get3A_33 = vector.load %arg4[%get3A_31, %get3A_32] : memref<128x128xf32, #tpu.memory_space<vmem>>, vector<128x128xf32>
    %dot_general3A = arith.constant dense<0.000000e+00> : vector<1024x128xf32>
    %dot_general3A_34 = tpu.matmul %max3A_30, %get3A_33, %dot_general3A {dimension_numbers = #tpu.dot_dimension_numbers<[1], [0], [0], [1], [0, 0, 1, 1], [], []>, precision = #tpu.contract_precision<fp32>, transpose_lhs_hint = false} : vector<1024x128xf32>, vector<128x128xf32>, vector<1024x128xf32> -> vector<1024x128xf32>
    %mul3A_35 = vector.broadcast %rsqrt3A : vector<1024x1xf32> to vector<1024x128xf32>
    %mul3A_36 = arith.mulf %dot_general3A_34, %mul3A_35 : vector<1024x128xf32>
    %swap3A = arith.constant 0 : index
    %swap3A_37 = arith.constant 0 : index
    %swap3A_38 = vector.load %arg5[%swap3A, %swap3A_37] : memref<1024x128xf32, #tpu.memory_space<vmem>>, vector<1024x128xf32>
    tpu.vector_store %arg5[%swap3A, %swap3A_37], %mul3A_36 {strides = array<i32>} : memref<1024x128xf32, #tpu.memory_space<vmem>>, vector<1024x128xf32>,
    return
  }
  func.func @transform_0(%arg0: i32) -> (i32, i32, i32) {
    %c0_i32 = arith.constant 0 : i32
    %c0_i32_0 = arith.constant 0 : i32
    %c0_i32_1 = arith.constant 0 : i32
    return %c0_i32, %arg0, %c0_i32_0 : i32, i32, i32
  }
  func.func @transform_1(%arg0: i32) -> (i32, i32, i32) {
    %c0_i32 = arith.constant 0 : i32
    %c0_i32_0 = arith.constant 0 : i32
    %c0_i32_1 = arith.constant 0 : i32
    return %c0_i32, %arg0, %c0_i32_0 : i32, i32, i32
  }
  func.func @transform_2(%arg0: i32) -> (i32, i32) {
    %c0_i32 = arith.constant 0 : i32
    %c0_i32_0 = arith.constant 0 : i32
    %c0_i32_1 = arith.constant 0 : i32
    return %c0_i32, %c0_i32_0 : i32, i32
  }
  func.func @transform_3(%arg0: i32) -> (i32, i32) {
    %c0_i32 = arith.constant 0 : i32
    %c0_i32_0 = arith.constant 0 : i32
    %c0_i32_1 = arith.constant 0 : i32
    return %c0_i32, %c0_i32_0 : i32, i32
  }
  func.func @transform_4(%arg0: i32) -> (i32, i32) {
    %c0_i32 = arith.constant 0 : i32
    %c0_i32_0 = arith.constant 0 : i32
    return %arg0, %c0_i32 : i32, i32
  }
}

module attributes {stable_mosaic.version = 14 : i64} {
  func.func @_tc_mid_body(%arg0: i32, %arg1: memref<2x1024x128xf32, #tpu.memory_space<vmem>>, %arg2: memref<2x1024x1xf32, #tpu.memory_space<vmem>>, %arg3: memref<1x128xf32, #tpu.memory_space<vmem>>, %arg4: memref<128x128xf32, #tpu.memory_space<vmem>>, %arg5: memref<1024x128xf32, #tpu.memory_space<vmem>>) attributes {dimension_semantics = [#tpu.dimension_semantics<arbitrary>], iteration_bounds = array<i64: 10>, scalar_prefetch = 0 : i64, scratch_operands = 0 : i64, tpu.core_type = #tpu.core_type<tc>, window_params = [{transform_indices = @transform_0, window_bounds = array<i64: 2, 1024, 128>}, {transform_indices = @transform_1, window_bounds = array<i64: 2, 1024, 1>}, {pipeline_mode = #tpu.pipeline_mode<synchronous>, transform_indices = @transform_2, window_bounds = array<i64: 1, 128>}, {pipeline_mode = #tpu.pipeline_mode<synchronous>, transform_indices = @transform_3, window_bounds = array<i64: 128, 128>}, {transform_indices = @transform_4, window_bounds = array<i64: 1024, 128>}]} {
    %get3A = arith.constant 0 : index
    %get3A_0 = arith.constant 0 : index
    %get3A_1 = arith.constant 0 : index
    %get3A_2 = vector.load %arg2[%get3A, %get3A_0, %get3A_1] : memref<2x1024x1xf32, #tpu.memory_space<vmem>>, vector<1x1024x1xf32>
    %get3A_3 = vector.shape_cast %get3A_2 : vector<1x1024x1xf32> to vector<1024x1xf32>
    %get3A_4 = arith.constant 1 : index
    %get3A_5 = arith.constant 0 : index
    %get3A_6 = arith.constant 0 : index
    %get3A_7 = vector.load %arg2[%get3A_4, %get3A_5, %get3A_6] : memref<2x1024x1xf32, #tpu.memory_space<vmem>>, vector<1x1024x1xf32>
    %get3A_8 = vector.shape_cast %get3A_7 : vector<1x1024x1xf32> to vector<1024x1xf32>
    %add3A = arith.addf %get3A_3, %get3A_8 : vector<1024x1xf32>
    %add3A_9 = arith.constant 1.000000e+00 : f32
    %add3A_10 = vector.broadcast %add3A_9 : f32 to vector<1024x1xf32>
    %add3A_11 = arith.addf %add3A, %add3A_10 : vector<1024x1xf32>
    %rsqrt3A = math.rsqrt %add3A_11 : vector<1024x1xf32>
    %get3A_12 = arith.constant 0 : index
    %get3A_13 = arith.constant 0 : index
    %get3A_14 = arith.constant 0 : index
    %get3A_15 = vector.load %arg1[%get3A_12, %get3A_13, %get3A_14] : memref<2x1024x128xf32, #tpu.memory_space<vmem>>, vector<1x1024x128xf32>
    %get3A_16 = vector.shape_cast %get3A_15 : vector<1x1024x128xf32> to vector<1024x128xf32>
    %get3A_17 = arith.constant 1 : index
    %get3A_18 = arith.constant 0 : index
    %get3A_19 = arith.constant 0 : index
    %get3A_20 = vector.load %arg1[%get3A_17, %get3A_18, %get3A_19] : memref<2x1024x128xf32, #tpu.memory_space<vmem>>, vector<1x1024x128xf32>
    %get3A_21 = vector.shape_cast %get3A_20 : vector<1x1024x128xf32> to vector<1024x128xf32>
    %add3A_22 = arith.addf %get3A_16, %get3A_21 : vector<1024x128xf32>
    %mul3A = vector.broadcast %rsqrt3A : vector<1024x1xf32> to vector<1024x128xf32>
    %mul3A_23 = arith.mulf %mul3A, %add3A_22 : vector<1024x128xf32>
    %get3A_24 = arith.constant 0 : index
    %get3A_25 = arith.constant 0 : index
    %get3A_26 = vector.load %arg3[%get3A_24, %get3A_25] : memref<1x128xf32, #tpu.memory_space<vmem>>, vector<1x128xf32>
    %add3A_27 = vector.broadcast %get3A_26 : vector<1x128xf32> to vector<1024x128xf32>
    %add3A_28 = arith.addf %mul3A_23, %add3A_27 : vector<1024x128xf32>
    %get3A_29 = arith.constant 0 : index
    %get3A_30 = arith.constant 0 : index
    %get3A_31 = vector.load %arg4[%get3A_29, %get3A_30] : memref<128x128xf32, #tpu.memory_space<vmem>>, vector<128x128xf32>
    %dot_general3A = arith.constant dense<0.000000e+00> : vector<1024x128xf32>
    %dot_general3A_32 = tpu.matmul %add3A_28, %get3A_31, %dot_general3A {dimension_numbers = #tpu.dot_dimension_numbers<[1], [0], [0], [1], [0, 0, 1, 1], [], []>, precision = #tpu.contract_precision<fp32>, transpose_lhs_hint = false} : vector<1024x128xf32>, vector<128x128xf32>, vector<1024x128xf32> -> vector<1024x128xf32>
    %swap3A = arith.constant 0 : index
    %swap3A_33 = arith.constant 0 : index
    %swap3A_34 = vector.load %arg5[%swap3A, %swap3A_33] : memref<1024x128xf32, #tpu.memory_space<vmem>>, vector<1024x128xf32>
    tpu.vector_store %arg5[%swap3A, %swap3A_33], %dot_general3A_32 {strides = array<i32>} : memref<1024x128xf32, #tpu.memory_space<vmem>>, vector<1024x128xf32>,
    return
  }
  func.func @transform_0(%arg0: i32) -> (i32, i32, i32) {
    %c0_i32 = arith.constant 0 : i32
    %c0_i32_0 = arith.constant 0 : i32
    %c0_i32_1 = arith.constant 0 : i32
    return %c0_i32, %arg0, %c0_i32_0 : i32, i32, i32
  }
  func.func @transform_1(%arg0: i32) -> (i32, i32, i32) {
    %c0_i32 = arith.constant 0 : i32
    %c0_i32_0 = arith.constant 0 : i32
    %c0_i32_1 = arith.constant 0 : i32
    return %c0_i32, %arg0, %c0_i32_0 : i32, i32, i32
  }
  func.func @transform_2(%arg0: i32) -> (i32, i32) {
    %c0_i32 = arith.constant 0 : i32
    %c0_i32_0 = arith.constant 0 : i32
    %c0_i32_1 = arith.constant 0 : i32
    return %c0_i32, %c0_i32_0 : i32, i32
  }
  func.func @transform_3(%arg0: i32) -> (i32, i32) {
    %c0_i32 = arith.constant 0 : i32
    %c0_i32_0 = arith.constant 0 : i32
    %c0_i32_1 = arith.constant 0 : i32
    return %c0_i32, %c0_i32_0 : i32, i32
  }
  func.func @transform_4(%arg0: i32) -> (i32, i32) {
    %c0_i32 = arith.constant 0 : i32
    %c0_i32_0 = arith.constant 0 : i32
    return %arg0, %c0_i32 : i32, i32
  }
}

module attributes {stable_mosaic.version = 14 : i64} {
  func.func @_tc4_body(%arg0: i32, %arg1: memref<4096x128xf32, #tpu.memory_space<vmem>>, %arg2: memref<4096x128xf32, #tpu.memory_space<vmem>>, %arg3: memref<128x1xf32, #tpu.memory_space<vmem>>, %arg4: memref<1x1xf32, #tpu.memory_space<vmem>>, %arg5: memref<4096x1xf32, #tpu.memory_space<vmem>>) attributes {dimension_semantics = [#tpu.dimension_semantics<arbitrary>], iteration_bounds = array<i64: 25>, scalar_prefetch = 0 : i64, scratch_operands = 0 : i64, tpu.core_type = #tpu.core_type<tc>, window_params = [{transform_indices = @transform_0, window_bounds = array<i64: 4096, 128>}, {transform_indices = @transform_1, window_bounds = array<i64: 4096, 128>}, {pipeline_mode = #tpu.pipeline_mode<synchronous>, transform_indices = @transform_2, window_bounds = array<i64: 128, 1>}, {pipeline_mode = #tpu.pipeline_mode<synchronous>, transform_indices = @transform_3, window_bounds = array<i64: 1, 1>}, {transform_indices = @transform_4, window_bounds = array<i64: 4096, 1>}]} {
    %get3A = arith.constant 0 : index
    %get3A_0 = arith.constant 0 : index
    %get3A_1 = vector.load %arg1[%get3A, %get3A_0] : memref<4096x128xf32, #tpu.memory_space<vmem>>, vector<4096x128xf32>
    %get3A_2 = arith.constant 0 : index
    %get3A_3 = arith.constant 0 : index
    %get3A_4 = vector.load %arg2[%get3A_2, %get3A_3] : memref<4096x128xf32, #tpu.memory_space<vmem>>, vector<4096x128xf32>
    %add3A = arith.addf %get3A_1, %get3A_4 : vector<4096x128xf32>
    %max3A = arith.constant 0.000000e+00 : f32
    %max3A_5 = vector.broadcast %max3A : f32 to vector<4096x128xf32>
    %max3A_6 = arith.maximumf %add3A, %max3A_5 : vector<4096x128xf32>
    %get3A_7 = arith.constant 0 : index
    %get3A_8 = arith.constant 0 : index
    %get3A_9 = vector.load %arg3[%get3A_7, %get3A_8] : memref<128x1xf32, #tpu.memory_space<vmem>>, vector<128x1xf32>
    %dot_general3A = arith.constant dense<0.000000e+00> : vector<4096x1xf32>
    %dot_general3A_10 = tpu.matmul %max3A_6, %get3A_9, %dot_general3A {dimension_numbers = #tpu.dot_dimension_numbers<[1], [0], [0], [1], [0, 0, 1, 1], [], []>, precision = #tpu.contract_precision<fp32>, transpose_lhs_hint = false} : vector<4096x128xf32>, vector<128x1xf32>, vector<4096x1xf32> -> vector<4096x1xf32>
    %get3A_11 = arith.constant 0 : index
    %get3A_12 = arith.constant 0 : index
    %get3A_13 = vector.load %arg4[%get3A_11, %get3A_12] : memref<1x1xf32, #tpu.memory_space<vmem>>, vector<1x1xf32>
    %add3A_14 = vector.broadcast %get3A_13 : vector<1x1xf32> to vector<4096x1xf32>
    %add3A_15 = arith.addf %dot_general3A_10, %add3A_14 : vector<4096x1xf32>
    %logistic3A = arith.negf %add3A_15 : vector<4096x1xf32>
    %logistic3A_16 = math.exp %logistic3A : vector<4096x1xf32>
    %logistic3A_17 = arith.constant 1.000000e+00 : f32
    %logistic3A_18 = vector.broadcast %logistic3A_17 : f32 to vector<4096x1xf32>
    %logistic3A_19 = arith.addf %logistic3A_18, %logistic3A_16 : vector<4096x1xf32>
    %logistic3A_20 = arith.divf %logistic3A_18, %logistic3A_19 : vector<4096x1xf32>
    %swap3A = arith.constant 0 : index
    %swap3A_21 = arith.constant 0 : index
    %swap3A_22 = vector.load %arg5[%swap3A, %swap3A_21] : memref<4096x1xf32, #tpu.memory_space<vmem>>, vector<4096x1xf32>
    tpu.vector_store %arg5[%swap3A, %swap3A_21], %logistic3A_20 {strides = array<i32>} : memref<4096x1xf32, #tpu.memory_space<vmem>>, vector<4096x1xf32>,
    return
  }
  func.func @transform_0(%arg0: i32) -> (i32, i32) {
    %c0_i32 = arith.constant 0 : i32
    %c0_i32_0 = arith.constant 0 : i32
    return %arg0, %c0_i32 : i32, i32
  }
  func.func @transform_1(%arg0: i32) -> (i32, i32) {
    %c0_i32 = arith.constant 0 : i32
    %c0_i32_0 = arith.constant 0 : i32
    return %arg0, %c0_i32 : i32, i32
  }
  func.func @transform_2(%arg0: i32) -> (i32, i32) {
    %c0_i32 = arith.constant 0 : i32
    %c0_i32_0 = arith.constant 0 : i32
    %c0_i32_1 = arith.constant 0 : i32
    return %c0_i32, %c0_i32_0 : i32, i32
  }
  func.func @transform_3(%arg0: i32) -> (i32, i32) {
    %c0_i32 = arith.constant 0 : i32
    %c0_i32_0 = arith.constant 0 : i32
    %c0_i32_1 = arith.constant 0 : i32
    return %c0_i32, %c0_i32_0 : i32, i32
  }
  func.func @transform_4(%arg0: i32) -> (i32, i32) {
    %c0_i32 = arith.constant 0 : i32
    %c0_i32_0 = arith.constant 0 : i32
    return %arg0, %c0_i32 : i32, i32
  }
}

</mosaic_0001>

<sc_bundles>
// kernel: kernel.10.cloned.1.call-start
scs
__scs_entry_jumppad:
0x0: {  	(pc) =	sbr.rel $0x88, $3  }
0x1: {  	(tag) =	ssettag $0x0;
	lr =	simm.s32 $0x1  }
0x2: {  	[smem:$0x3F96] =	sst lr;
	_ =	strace $0xD0000000  }
0x3: {  	_ = 	snop  }
0x4: {  	_ = 	snop  }
0x5: {  	_ = 	snop  }
0x6: {  	_ = 	snop  }
0x7: {  	_ = 	snop  }
__scs_overlays_trampoline_lowered:
0x8: {  	[smem:$0x3FA5] =	sst s0  }
0x9: {  	[smem:$0x3FA6] =	sst s1  }
0xa: {  	[smem:$0x3FA7] =	sst s2  }
0xb: {  	[smem:$0x3FA8] =	sst s3  }
0xc: {  	[smem:$0x3FA9] =	sst s4  }
0xd: {  	[smem:$0x3FAA] =	sst s5  }
0xe: {  	[smem:$0x3FAB] =	sst s6  }
0xf: {  	[smem:$0x3FAC] =	sst s7  }
0x10: {  	[smem:$0x3FAD] =	sst s8  }
0x11: {  	[smem:$0x3FAE] =	sst s9;
	s0 =	simm.s32 @!p0 $0x0  }
0x12: {  	s1 =	sld [smem:$0x3F94];
	s0 =	simm.s32 @p0 $0x1  }
0x13: {  	[smem:$0x3FAF] =	sst s0;
	s0 =	simm.s32 @!p1 $0x0  }
0x14: {  	s2 =	sld [smem:$0x3F93];
	s0 =	simm.s32 @p1 $0x1  }
0x15: {  	[smem:$0x3FB0] =	sst s0;
	s0 =	simm.s32 @!p2 $0x0  }
0x16: {  	s3 =	sld [smem:$0x3FDB];
	s0 =	simm.s32 @p2 $0x1  }
0x17: {  	s4 =	simm.s32 $0x1BF5;
	[smem:$0x3FB2] =	sst s0  }
0x18: {  	s0 =	sld [smem:$0x3F95];
	_ =	swait.ge [sflag:s4], $0x0  }
0x19: {  	s7 =	sld [smem:$0x3F96]  }
0x1a: {  	s8 =	sadd.s32 $0xFFFFE003, lr  }
0x1b: {  	s9 =	sadd.s32 $0xFFFFFEF7, lr;
	s5 =	simm.s32 $0xFFFFFFFF;
	p2 =	slt.u32 s8, $0xFFFFF086  }
0x1c: {  	p1 =	slt.u32 s9, $0xF7A;
	s5 =	simm.s32 @!p2 $0x0  }
0x1d: {  	s5 =	simm.s32 @p1 $0x1;
	p0 =	seq.s32 s7, s2  }
0x1e: {  	s7 =	smul.u32 @!p0 $0xF7A, s2;
	p2 =	seq.s32 @!p0 s5, $0x0  }
0x1f: {  	s9 =	smul.u32 $0xF7A, s1;
	s8 =	simm.s32 @!p0 $0x1BF5;
	p2 =	por !p2, p0  }
0x20: {  	[sflag:s8] =	ssyncset.s32 @!p0 $0xFFFFF086;
	s6 =	sadd.s32 @!p0 s3, s7;
	s7 =	simm.s32 @!p0 $0x108  }
0x21: {  	s3 =	sadd.s32 s3, s9;
	s6 =	sadd.s32 @!p0 $0x88, s6;
	s7 =	simm.s32 @p2 $0x1082  }
0x22: {  	[simem:s7], [sflag:s8] =	dma.local @!p0 [hbm:s6], $0xF7A  }
0x23: {  	s9 =	sor.u32 $0xD0000000, s2;
	s6 =	simm.s32 $0x108;
	_ =	swait.ge @!p0 [sflag:s8], $0x0  }
0x24: {  	s3 =	sadd.s32 $0x88, s3;
	s6 =	simm.s32 @!p1 $0x1082;
	[sflag:s4] =	ssyncset.s32 $0xFFFFF086  }
0x25: {  	[simem:s6], [sflag:s4] =	dma.local [hbm:s3], $0xF7A  }
0x26: {  	[smem:$0x3F96] =	sst s1;
	(tag) =	ssettag s2;
	_ =	strace s9  }
0x27: {  	s1 =	sld [smem:$0x3FA6]  }
0x28: {  	s2 =	sld [smem:$0x3FA7]  }
0x29: {  	s4 =	sld [smem:$0x3FA9]  }
0x2a: {  	p0 =	seq.s32 s5, $0x0;
	s5 =	sld [smem:$0x3FAA]  }
0x2b: {  	s6 =	sld [smem:$0x3FAB]  }
0x2c: {  	s7 =	sld [smem:$0x3FAC]  }
0x2d: {  	s3 =	simm.s32 $0x108;
	s8 =	sld [smem:$0x3FAD]  }
0x2e: {  	s3 =	simm.s32 @!p0 $0x1082;
	s9 =	sld [smem:$0x3FAE]  }
0x2f: {  	lr =	sadd.s32 s0, s3;
	s0 =	sld [smem:$0x3FA5]  }
0x30: {  	s3 =	sld [smem:$0x3FA8]  }
0x31: {  	[smem:$0x3FB1] =	sst s10  }
0x32: {  	s10 =	sld [smem:$0x3FAF];
	_ =	sdelay $0x3  }
0x33: {  	p0 =	seq.s32 s10, $0x1;
	s10 =	sld [smem:$0x3FB1];
	_ =	sdelay $0x3  }
0x34: {  	[smem:$0x3FB1] =	sst s10  }
0x35: {  	s10 =	sld [smem:$0x3FB0];
	_ =	sdelay $0x3  }
0x36: {  	p1 =	seq.s32 s10, $0x1;
	s10 =	sld [smem:$0x3FB1];
	_ =	sdelay $0x3  }
0x37: {  	[smem:$0x3FB1] =	sst s10  }
0x38: {  	s10 =	sld [smem:$0x3FB2]  }
0x39: {  	_ = 	snop;
	(pc) =	sbr.ind lr, $3  }
0x3a: {  	_ = 	snop  }
0x3b: {  	_ = 	snop  }
0x3c: {  	p2 =	seq.s32 s10, $0x1;
	s10 =	sld [smem:$0x3FB1]  }
0x3d: {  	_ =	shalt  }
0x3e: {  	_ =	shalt  }
0x3f: {  	_ =	shalt  }
0x40: {  	_ =	shalt  }
0x41: {  	_ =	shalt  }
0x42: {  	_ =	shalt  }
0x43: {  	_ =	shalt  }
0x44: {  	_ =	shalt  }
0x45: {  	_ =	shalt  }
0x46: {  	_ =	shalt  }
0x47: {  	_ =	shalt  }
0x48: {  	_ =	shalt  }
0x49: {  	_ =	shalt  }
0x4a: {  	_ =	shalt  }
0x4b: {  	_ =	shalt  }
0x4c: {  	_ =	shalt  }
0x4d: {  	_ =	shalt  }
0x4e: {  	_ =	shalt  }
0x4f: {  	_ =	shalt  }
0x50: {  	_ =	shalt  }
0x51: {  	_ =	shalt  }
0x52: {  	_ =	shalt  }
0x53: {  	_ =	shalt  }
0x54: {  	_ =	shalt  }
0x55: {  	_ =	shalt  }
0x56: {  	_ =	shalt  }
0x57: {  	_ =	shalt  }
0x58: {  	_ =	shalt  }
0x59: {  	_ =	shalt  }
0x5a: {  	_ =	shalt  }
0x5b: {  	_ =	shalt  }
0x5c: {  	_ =	shalt  }
0x5d: {  	_ =	shalt  }
0x5e: {  	_ =	shalt  }
0x5f: {  	_ =	shalt  }
0x60: {  	_ =	shalt  }
0x61: {  	_ =	shalt  }
0x62: {  	_ =	shalt  }
0x63: {  	_ =	shalt  }
0x64: {  	_ =	shalt  }
0x65: {  	_ =	shalt  }
0x66: {  	_ =	shalt  }
0x67: {  	_ =	shalt  }
0x68: {  	_ =	shalt  }
0x69: {  	_ =	shalt  }
0x6a: {  	_ =	shalt  }
0x6b: {  	_ =	shalt  }
0x6c: {  	_ =	shalt  }
0x6d: {  	_ =	shalt  }
0x6e: {  	_ =	shalt  }
0x6f: {  	_ =	shalt  }
0x70: {  	_ =	shalt  }
0x71: {  	_ =	shalt  }
0x72: {  	_ =	shalt  }
0x73: {  	_ =	shalt  }
0x74: {  	_ =	shalt  }
0x75: {  	_ =	shalt  }
0x76: {  	_ =	shalt  }
0x77: {  	_ =	shalt  }
0x78: {  	_ =	shalt  }
0x79: {  	_ =	shalt  }
0x7a: {  	_ =	shalt  }
0x7b: {  	_ =	shalt  }
0x7c: {  	_ =	shalt  }
0x7d: {  	_ =	shalt  }
0x7e: {  	_ =	shalt  }
0x7f: {  	_ =	shalt  }
0x80: {  	_ =	shalt  }
0x81: {  	_ =	shalt  }
0x82: {  	_ =	shalt  }
0x83: {  	_ =	shalt  }
0x84: {  	_ =	shalt  }
0x85: {  	_ =	shalt  }
0x86: {  	_ =	shalt  }
0x87: {  	_ =	shalt  }
.Lfunc_end0:
.L_simem_size_0:
called_computation_lowered:
.L_overlay_start_0:
0x88: {  	s2 =	sld [smem:$0x3FD9]  }
0x89: {  	s3 =	sld [smem:$0x3FFE];
	_ =	sdelay $0x1  }
0x8a: {  	s1 =	srdreg.scid  }
0x8b: {  	s0 =	sand.u32 $0x1, s1  }
0x8c: {  	s17 =	sshll.u32 s0, $0xA;
	s2 =	sadd.s32 s3, s2  }
0x8d: {  	s2 =	sadd.s32 s2, s17  }
0x8e: {  	[smem:$0x3FBD] =	sst s2  }
0x8f: {  	_ = 	snop  }
0x90: {  	s2 =	sld [smem:$0x3FD0];
	(tm) =	ssettm $0x1  }
0x91: {  	s18 =	sld [smem:$0x3FFB];
	_ =	sdelay $0x3  }
0x92: {  	_ =	strace s18  }
0x93: {  	s3 =	sld [smem:$0x3FFC];
	_ =	sdelay $0x3  }
0x94: {  	_ =	strace s3  }
0x95: {  	s3 =	sld [smem:$0x3FFD];
	_ =	sdelay $0x3  }
0x96: {  	_ =	strace s3  }
0x97: {  	_ =	strace $0x8FFFFFFF  }
0x98: {  	s19 =	sld [smem:$0x3FDB];
	_ =	sdelay $0x1  }
0x99: {  	s4 =	simm.s32 $_scs_section_size  }
0x9a: {  	s5 =	simm.s32 $_size__tile_overlayer_lowered;
	s6 =	simm.s32 $_tile_overlayer_lowered  }
0x9b: {  	s22 =	simm.s32 $0x1BFF;
	s21 =	sshll.u32 s6, $0x1;
	s3 =	sadd.s32 s4, s19  }
0x9c: {  	s7 =	simm.s32 $0x0;
	s20 =	sshll.u32 s5, $0x1;
	s5 =	sadd.s32 s21, s3  }
0x9d: {  	[timem:s7], [sflag:s22] =	dma.local [hbm:s5], s20  }
0x9e: {  	_ =	swait.ge [sflag:s22], s20  }
0x9f: {  	s4 =	ssub.s32 $0x0, s20;
	[sflag:s22] =	ssyncset.done $0x0  }
0xa0: {  	[sflag:s22] =	ssyncadd.s32 s4;
	_ =	sdelay $0x1  }
0xa1: {  	s23 =	simm.s32 $0x1B8B  }
0xa2: {  	_ =	swait.ge [sflag:s23], $0x1  }
0xa3: {  	[sflag:s23] =	ssyncset.done $0x0  }
0xa4: {  	s25 =	simm.s32 $0x1B8E;
	s24 =	sld [smem:$0x3FFE];
	[sflag:s23] =	ssyncadd.s32 $0xFFFFFFFF  }
0xa5: {  	s26 =	simm.s32 $execute0_lowered;
	[smem:$0x3FD2] =	sst s25  }
0xa6: {  	s5 =	sshll.u32 s26, $0x1;
	_ =	strace $0x80000046;
	[dreg:$0x1] =	wrdreg $0xFFFFFFFF  }
0xa7: {  	s28 =	simm.s32 $_size_execute0_lowered;
	s3 =	sadd.s32 s3, s5;
	[dreg:$0x0] =	wrdreg $0x0  }
0xa8: {  	s5 =	sshll.u32 s28, $0x1;
	[dreg:$0x2] =	wrdreg s3  }
0xa9: {  	[dreg:$0x3] =	wrdreg s5  }
0xaa: {  	[dreg:$0x4] =	wrdreg $0xC0  }
0xab: {  	_ =	task [dreg:s7], $0x5FFFF  }
0xac: {  	[dreg:$0x1] =	wrdreg $0xFFFFFFFF  }
0xad: {  	[dreg:$0x0] =	wrdreg $0x60  }
0xae: {  	[dreg:$0x2] =	wrdreg s24  }
0xaf: {  	[dreg:$0x3] =	wrdreg s2  }
0xb0: {  	[dreg:$0x4] =	wrdreg $0x28800  }
0xb1: {  	[dreg:$0x5] =	wrdreg $0x9  }
0xb2: {  	_ =	task.clear_ibuf [dreg:s7], $0x6FFFF;
	_ =	strace $0x90000046  }
0xb3: {  	s29 =	simm.s32 $0x9;
	_ =	strace $0x80000048  }
0xb4: {  	_ =	swait.ge [sflag:s29], $0x1  }
0xb5: {  	[sflag:s29] =	ssyncadd.s32 $0xFFFFFFFF  }
0xb6: {  	_ =	strace $0x90000048  }
0xb7: {  	_ =	sfence  }
0xb8: {  	s30 =	sld [smem:$0x0];
	_ =	sdelay $0x2  }
0xb9: {  	s31 =	sshll.u32 s1, $0xD;
	s1 =	sshrl.u32 s1, $0x2  }
0xba: {  	s3 =	sand.u32 $0x4000, s31;
	s1 =	sadd.s32 s1, s30  }
0xbb: {  	s0 =	sor.u32 s3, s0;
	s1 =	sshll.u32 s1, $0x11  }
0xbc: {  	s0 =	sor.u32 s1, s0  }
0xbd: {  	s0 =	sadd.s32 $0x8F2B, s0  }
0xbe: {  	[sflag:s0] =	ssyncadd.remote.s32 $0x1  }
0xbf: {  	_ =	sfence.sel $0xFFFF  }
0xc0: {  	[dreg:$0x0] =	wrdreg $0xFFFFFFFF;
	(pc) =	sbr.abs _section_cstart, $3  }
0xc1: {  	[dreg:$0x1] =	wrdreg $0xFFFFFFFF  }
0xc2: {  	_ =	task.clear_ibuf [dreg:s7], $0x2FFFF;
	_ =	strace $0x9FFFFFFF  }
0xc3: {  	(tm) =	ssettm $0x7FFFFFFF  }
tec
execute0_lowered:
.L_overlay_start_1:
0x0: {  	(tag) =	ssettag $0x1  }
0x1: {  	s4 =	rddreg [dreg:$0x0]  }
0x2: {  	s6 =	rddreg [dreg:$0x1];
	s1 =	srdreg.scid  }
0x3: {  	s0 =	stileid.u32;
	s2 =	rddreg [dreg:$0x2]  }
0x4: {  	s3 =	simm.s32 $0x0;
	s13 =	simm.s32 $0x20;
	s14 =	simm.s32 $0x10  }
0x5: {  	s15 =	simm.s32 $0x0;
	s5 =	sand.u32 $0x1, s1;
	s1 =	rddreg [dreg:$0x3]  }
0x6: {  	s7 =	sshll.u32 s0, $0x1;
	[smem:$0x7FF] =	sst s3;
	s8 =	smul.u32 $0x280, s0  }
0x7: {  	s10 =	smul.u32 $0x500, s0;
	s31 =	sshll.u32 s0, $0x6;
	s7 =	sor.u32 s5, s7  }
0x8: {  	_ =	strace $0x80000047;
	s9 =	ssub.s32 $0x2, s5;
	s5 =	sshll.u32 s5, $0x7  }
0x9: {  	s7 =	smul.u32 $0x4E2, s7;
	s11 =	sshrl.u32 s8, $0x3;
	s12 =	sshrl.u32 s9, $0x1  }
0xa: {  	s5 =	sor.u32 s5, s10;
	s29 =	sadd.s32 s8, s2;
	s8 =	simm.s32 $0x1  }
0xb: {  	s11 =	sadd.s32 s11, s4;
	s9 =	ssub.s32 s9, s12;
	s30 =	sshrl.u32 s5, $0x3  }
0xc: {  	s10 =	sshrl.u32 s29, $0x3;
	s12 =	simm.s32 $0x2780;
	s7 =	sadd.s32 s7, s4  }
0xd: {  	s5 =	sadd.s32 $0x16800, s11;
	s6 =	sadd.s32 s6, s30;
	s11 =	simm.s32 $0xC8  }
0xe: {  	v0 =	vimm.f32 $1.000000000e+00;
	s4 =	sadd.s32 $0xCA00, s7;
	s7 =	smax.u32 s9, $0x1;
	s9 =	sor.u32 $0x1C01, s31  }
.LBB2_1:
0xf: {  	[tilespmem:$0x2780] =	vst v0  }
0x10: {  	[tilespmem:$0x2790] =	vst v0  }
0x11: {  	[tilespmem:$0x27A0] =	vst v0  }
0x12: {  	[tilespmem:$0x27B0] =	vst v0  }
0x13: {  	[tilespmem:$0x27C0] =	vst v0  }
0x14: {  	[tilespmem:$0x27D0] =	vst v0  }
0x15: {  	[tilespmem:$0x27E0] =	vst v0  }
0x16: {  	[tilespmem:$0x27F0] =	vst v0  }
0x17: {  	[tilespmem:$0x2800] =	vst v0  }
0x18: {  	[tilespmem:$0x2810] =	vst v0  }
0x19: {  	[tilespmem:$0x2820] =	vst v0  }
0x1a: {  	[tilespmem:$0x2830] =	vst v0  }
0x1b: {  	[tilespmem:s3], [sflag:$0x1] =	stream.linear.gather [hbm4b:s4+s3], $0x2710, $0x38;
	[tilespmem:$0x2B00] =	vst v63  }
0x1c: {  	_ =	swait.ge [sflag:s8], $0x2710  }
0x1d: {  	[sflag:s8] =	ssyncset.done $0x0  }
0x1e: {  	[sflag:s8] =	ssyncadd.s32 $0xFFFFD8F0  }
0x1f: {  	[spmem:s10], [sflag:s9] =	dma.local [hbm:s5], $0x50  }
0x20: {  	_ =	swait.ge [sflag:s8], $0x50  }
0x21: {  	[sflag:s8] =	ssyncset.done $0x0  }
0x22: {  	[sflag:s8] =	ssyncadd.s32 $0xFFFFFFB0  }
0x23: {  	s16 =	simm.s32 $0x0;
	[bflag:$0x0] =	sbarrier.arrive $0xFFFF  }
0x24: {  	[spmem:s2] =	stream.indirect.scatter.add.f32 [tilespmem:s12], [sflag:$0x1], $0x1, s16, s11, $0xb8;
	[tilespmem:$0x2B00] =	vst v63  }
0x25: {  	_ =	swait.ge [sflag:s8], $0xC8  }
0x26: {  	s16 =	simm.s32 $0x320;
	[sflag:s8] =	ssyncset.done $0x0  }
.LBB2_2:
0x27: {  	s17 =	sshra.s32 s16, $0x2;
	[sflag:s8] =	ssyncadd.s32 $0xFFFFFF38;
	p0 =	sne.s32 s16, $0x9920  }
0x28: {  	[spmem:s2] =	stream.indirect.scatter.add.f32 [tilespmem:s12], [sflag:$0x1], $0x1, s17, s11, $0xb8;
	[tilespmem:$0x2B00] =	vst v63  }
.Ltmp0:
0x29: {  	_ = 	snop;
	(pc) =	sbr.rel @p0 .LBB2_2-.Ltmp0, $4  }
0x2a: {  	_ = 	snop  }
0x2b: {  	s16 =	sadd.s32 $0x320, s16  }
0x2c: {  	_ =	swait.ge [sflag:s8], $0xC8  }
0x2d: {  	[sflag:s8] =	ssyncset.done $0x0  }
0x2e: {  	s15 =	sadd.s32 $0x1, s15  }
0x2f: {  	[sflag:s8] =	ssyncadd.s32 $0xFFFFFF38;
	p0 =	sne.s32 s15, s7  }
.Ltmp1:
0x30: {  	[bflag:$0x0] =	sbarrier.arrive $0xFFFF;
	(pc) =	sbr.rel @p0 .LBB2_1-.Ltmp1, $4  }
0x31: {  	[hbm:s6@s13], [sflag:s9] =	dma.strided [spmem:s10@s14], $0x50, s8, $0x10   }
0x32: {  	_ =	swait.ge [sflag:s8], $0x50  }
0x33: {  	[sflag:s8] =	ssyncset.done $0x0  }
0x34: {  	[sflag:s8] =	ssyncadd.s32 $0xFFFFFFB0  }
0x35: {  	_ =	sfence.sel $0x180000  }
0x36: {  	[bflag:$0x0] =	sbarrier.arrive $0xFFFF  }
0x37: {  	p0 =	sne.s32 s0, $0x0;
	_ =	strace $0x90000047  }
0x38: {  	s0 =	sadd.s32 @!p0 $0x100000, s1;
	[bflag:$0x2] =	sbarrier.arrive $0xFFFF  }
0x39: {  	[sflag:s0] =	ssyncadd.tile.s32 @!p0 $0x1;
	_ =	shalt  }
.Lfunc_end2:
_tile_overlayer_lowered:
.L_overlay_start_2:
0x3a: {  	(tag) =	ssettag $0x2  }
0x3b: {  	s0 =	rddreg [dreg:$0x0];
	s2 =	stileid.u32  }
0x3c: {  	s1 =	rddreg [dreg:$0x1];
	p0 =	sne.s32 s2, $0x0  }
0x3d: {  	s3 =	rddreg [dreg:$0x2];
	[bflag:$0x3] =	sbarrier.arrive $0xFFFF;
	s2 =	simm.s32 @!p0 $0x1C01  }
0x3e: {  	[timem:s3], [sflag:s2] =	dma.local @!p0 [hbm:s0], s1  }
0x3f: {  	s0 =	simm.s32 @!p0 $0x1  }
0x40: {  	_ =	swait.ge @!p0 [sflag:s0], s1  }
0x41: {  	s1 =	ssub.s32 @!p0 $0x0, s1;
	[sflag:s0] =	ssyncset.done @!p0 $0x0  }
0x42: {  	[sflag:s0] =	ssyncadd.s32 @!p0 s1  }
0x43: {  	[bflag:$0x3] =	sbarrier.arrive $0xFFFF  }
0x44: {  	_ =	shalt  }

// kernel: kernel.13.cloned.1.call-start
scs
__scs_entry_jumppad:
0x0: {  	(pc) =	sbr.rel $0x88, $3  }
0x1: {  	(tag) =	ssettag $0x0;
	lr =	simm.s32 $0x1  }
0x2: {  	[smem:$0x3F96] =	sst lr;
	_ =	strace $0xD0000000  }
0x3: {  	_ = 	snop  }
0x4: {  	_ = 	snop  }
0x5: {  	_ = 	snop  }
0x6: {  	_ = 	snop  }
0x7: {  	_ = 	snop  }
__scs_overlays_trampoline_lowered:
0x8: {  	[smem:$0x3FA5] =	sst s0  }
0x9: {  	[smem:$0x3FA6] =	sst s1  }
0xa: {  	[smem:$0x3FA7] =	sst s2  }
0xb: {  	[smem:$0x3FA8] =	sst s3  }
0xc: {  	[smem:$0x3FA9] =	sst s4  }
0xd: {  	[smem:$0x3FAA] =	sst s5  }
0xe: {  	[smem:$0x3FAB] =	sst s6  }
0xf: {  	[smem:$0x3FAC] =	sst s7  }
0x10: {  	[smem:$0x3FAD] =	sst s8  }
0x11: {  	[smem:$0x3FAE] =	sst s9;
	s0 =	simm.s32 @!p0 $0x0  }
0x12: {  	s1 =	sld [smem:$0x3F94];
	s0 =	simm.s32 @p0 $0x1  }
0x13: {  	[smem:$0x3FAF] =	sst s0;
	s0 =	simm.s32 @!p1 $0x0  }
0x14: {  	s2 =	sld [smem:$0x3F93];
	s0 =	simm.s32 @p1 $0x1  }
0x15: {  	[smem:$0x3FB0] =	sst s0;
	s0 =	simm.s32 @!p2 $0x0  }
0x16: {  	s3 =	sld [smem:$0x3FDB];
	s0 =	simm.s32 @p2 $0x1  }
0x17: {  	s4 =	simm.s32 $0x1BF5;
	[smem:$0x3FB2] =	sst s0  }
0x18: {  	s0 =	sld [smem:$0x3F95];
	_ =	swait.ge [sflag:s4], $0x0  }
0x19: {  	s7 =	sld [smem:$0x3F96]  }
0x1a: {  	s8 =	sadd.s32 $0xFFFFE003, lr  }
0x1b: {  	s9 =	sadd.s32 $0xFFFFFEF7, lr;
	s5 =	simm.s32 $0xFFFFFFFF;
	p2 =	slt.u32 s8, $0xFFFFF086  }
0x1c: {  	p1 =	slt.u32 s9, $0xF7A;
	s5 =	simm.s32 @!p2 $0x0  }
0x1d: {  	s5 =	simm.s32 @p1 $0x1;
	p0 =	seq.s32 s7, s2  }
0x1e: {  	s7 =	smul.u32 @!p0 $0xF7A, s2;
	p2 =	seq.s32 @!p0 s5, $0x0  }
0x1f: {  	s9 =	smul.u32 $0xF7A, s1;
	s8 =	simm.s32 @!p0 $0x1BF5;
	p2 =	por !p2, p0  }
0x20: {  	[sflag:s8] =	ssyncset.s32 @!p0 $0xFFFFF086;
	s6 =	sadd.s32 @!p0 s3, s7;
	s7 =	simm.s32 @!p0 $0x108  }
0x21: {  	s3 =	sadd.s32 s3, s9;
	s6 =	sadd.s32 @!p0 $0x88, s6;
	s7 =	simm.s32 @p2 $0x1082  }
0x22: {  	[simem:s7], [sflag:s8] =	dma.local @!p0 [hbm:s6], $0xF7A  }
0x23: {  	s9 =	sor.u32 $0xD0000000, s2;
	s6 =	simm.s32 $0x108;
	_ =	swait.ge @!p0 [sflag:s8], $0x0  }
0x24: {  	s3 =	sadd.s32 $0x88, s3;
	s6 =	simm.s32 @!p1 $0x1082;
	[sflag:s4] =	ssyncset.s32 $0xFFFFF086  }
0x25: {  	[simem:s6], [sflag:s4] =	dma.local [hbm:s3], $0xF7A  }
0x26: {  	[smem:$0x3F96] =	sst s1;
	(tag) =	ssettag s2;
	_ =	strace s9  }
0x27: {  	s1 =	sld [smem:$0x3FA6]  }
0x28: {  	s2 =	sld [smem:$0x3FA7]  }
0x29: {  	s4 =	sld [smem:$0x3FA9]  }
0x2a: {  	p0 =	seq.s32 s5, $0x0;
	s5 =	sld [smem:$0x3FAA]  }
0x2b: {  	s6 =	sld [smem:$0x3FAB]  }
0x2c: {  	s7 =	sld [smem:$0x3FAC]  }
0x2d: {  	s3 =	simm.s32 $0x108;
	s8 =	sld [smem:$0x3FAD]  }
0x2e: {  	s3 =	simm.s32 @!p0 $0x1082;
	s9 =	sld [smem:$0x3FAE]  }
0x2f: {  	lr =	sadd.s32 s0, s3;
	s0 =	sld [smem:$0x3FA5]  }
0x30: {  	s3 =	sld [smem:$0x3FA8]  }
0x31: {  	[smem:$0x3FB1] =	sst s10  }
0x32: {  	s10 =	sld [smem:$0x3FAF];
	_ =	sdelay $0x3  }
0x33: {  	p0 =	seq.s32 s10, $0x1;
	s10 =	sld [smem:$0x3FB1];
	_ =	sdelay $0x3  }
0x34: {  	[smem:$0x3FB1] =	sst s10  }
0x35: {  	s10 =	sld [smem:$0x3FB0];
	_ =	sdelay $0x3  }
0x36: {  	p1 =	seq.s32 s10, $0x1;
	s10 =	sld [smem:$0x3FB1];
	_ =	sdelay $0x3  }
0x37: {  	[smem:$0x3FB1] =	sst s10  }
0x38: {  	s10 =	sld [smem:$0x3FB2]  }
0x39: {  	_ = 	snop;
	(pc) =	sbr.ind lr, $3  }
0x3a: {  	_ = 	snop  }
0x3b: {  	_ = 	snop  }
0x3c: {  	p2 =	seq.s32 s10, $0x1;
	s10 =	sld [smem:$0x3FB1]  }
0x3d: {  	_ =	shalt  }
0x3e: {  	_ =	shalt  }
0x3f: {  	_ =	shalt  }
0x40: {  	_ =	shalt  }
0x41: {  	_ =	shalt  }
0x42: {  	_ =	shalt  }
0x43: {  	_ =	shalt  }
0x44: {  	_ =	shalt  }
0x45: {  	_ =	shalt  }
0x46: {  	_ =	shalt  }
0x47: {  	_ =	shalt  }
0x48: {  	_ =	shalt  }
0x49: {  	_ =	shalt  }
0x4a: {  	_ =	shalt  }
0x4b: {  	_ =	shalt  }
0x4c: {  	_ =	shalt  }
0x4d: {  	_ =	shalt  }
0x4e: {  	_ =	shalt  }
0x4f: {  	_ =	shalt  }
0x50: {  	_ =	shalt  }
0x51: {  	_ =	shalt  }
0x52: {  	_ =	shalt  }
0x53: {  	_ =	shalt  }
0x54: {  	_ =	shalt  }
0x55: {  	_ =	shalt  }
0x56: {  	_ =	shalt  }
0x57: {  	_ =	shalt  }
0x58: {  	_ =	shalt  }
0x59: {  	_ =	shalt  }
0x5a: {  	_ =	shalt  }
0x5b: {  	_ =	shalt  }
0x5c: {  	_ =	shalt  }
0x5d: {  	_ =	shalt  }
0x5e: {  	_ =	shalt  }
0x5f: {  	_ =	shalt  }
0x60: {  	_ =	shalt  }
0x61: {  	_ =	shalt  }
0x62: {  	_ =	shalt  }
0x63: {  	_ =	shalt  }
0x64: {  	_ =	shalt  }
0x65: {  	_ =	shalt  }
0x66: {  	_ =	shalt  }
0x67: {  	_ =	shalt  }
0x68: {  	_ =	shalt  }
0x69: {  	_ =	shalt  }
0x6a: {  	_ =	shalt  }
0x6b: {  	_ =	shalt  }
0x6c: {  	_ =	shalt  }
0x6d: {  	_ =	shalt  }
0x6e: {  	_ =	shalt  }
0x6f: {  	_ =	shalt  }
0x70: {  	_ =	shalt  }
0x71: {  	_ =	shalt  }
0x72: {  	_ =	shalt  }
0x73: {  	_ =	shalt  }
0x74: {  	_ =	shalt  }
0x75: {  	_ =	shalt  }
0x76: {  	_ =	shalt  }
0x77: {  	_ =	shalt  }
0x78: {  	_ =	shalt  }
0x79: {  	_ =	shalt  }
0x7a: {  	_ =	shalt  }
0x7b: {  	_ =	shalt  }
0x7c: {  	_ =	shalt  }
0x7d: {  	_ =	shalt  }
0x7e: {  	_ =	shalt  }
0x7f: {  	_ =	shalt  }
0x80: {  	_ =	shalt  }
0x81: {  	_ =	shalt  }
0x82: {  	_ =	shalt  }
0x83: {  	_ =	shalt  }
0x84: {  	_ =	shalt  }
0x85: {  	_ =	shalt  }
0x86: {  	_ =	shalt  }
0x87: {  	_ =	shalt  }
.Lfunc_end0:
.L_simem_size_0:
called_computation.1_lowered:
.L_overlay_start_0:
0x88: {  	s2 =	sld [smem:$0x3FD9]  }
0x89: {  	s3 =	sld [smem:$0x3FFE];
	_ =	sdelay $0x1  }
0x8a: {  	s1 =	srdreg.scid  }
0x8b: {  	s0 =	sand.u32 $0x1, s1  }
0x8c: {  	s16 =	sshll.u32 s0, $0xA;
	s2 =	sadd.s32 s3, s2  }
0x8d: {  	s2 =	sadd.s32 s2, s16  }
0x8e: {  	[smem:$0x3FBD] =	sst s2  }
0x8f: {  	_ = 	snop  }
0x90: {  	(tm) =	ssettm $0x1  }
0x91: {  	s17 =	sld [smem:$0x3FFB];
	_ =	sdelay $0x3  }
0x92: {  	_ =	strace s17  }
0x93: {  	s2 =	sld [smem:$0x3FFC];
	_ =	sdelay $0x3  }
0x94: {  	_ =	strace s2  }
0x95: {  	s2 =	sld [smem:$0x3FFD];
	_ =	sdelay $0x3  }
0x96: {  	_ =	strace s2  }
0x97: {  	_ =	strace $0x8FFFFFFF  }
0x98: {  	s18 =	sld [smem:$0x3FDB];
	_ =	sdelay $0x1  }
0x99: {  	s19 =	simm.s32 $_scs_section_size  }
0x9a: {  	s4 =	simm.s32 $_size__tile_overlayer_lowered;
	s5 =	simm.s32 $_tile_overlayer_lowered  }
0x9b: {  	s22 =	simm.s32 $0x1BFF;
	s21 =	sshll.u32 s5, $0x1;
	s2 =	sadd.s32 s19, s18  }
0x9c: {  	s6 =	simm.s32 $0x0;
	s20 =	sshll.u32 s4, $0x1;
	s4 =	sadd.s32 s21, s2  }
0x9d: {  	[timem:s6], [sflag:s22] =	dma.local [hbm:s4], s20  }
0x9e: {  	_ =	swait.ge [sflag:s22], s20  }
0x9f: {  	s3 =	ssub.s32 $0x0, s20;
	[sflag:s22] =	ssyncset.done $0x0  }
0xa0: {  	[sflag:s22] =	ssyncadd.s32 s3;
	_ =	sdelay $0x1  }
0xa1: {  	s23 =	simm.s32 $0x1B8B  }
0xa2: {  	_ =	swait.ge [sflag:s23], $0x1  }
0xa3: {  	[sflag:s23] =	ssyncset.done $0x0  }
0xa4: {  	s25 =	simm.s32 $0x1B8E;
	s24 =	sld [smem:$0x3FFE];
	[sflag:s23] =	ssyncadd.s32 $0xFFFFFFFF  }
0xa5: {  	s26 =	simm.s32 $execute0_lowered;
	[smem:$0x3FD2] =	sst s25  }
0xa6: {  	s4 =	sshll.u32 s26, $0x1;
	_ =	strace $0x80000049;
	[dreg:$0x1] =	wrdreg $0xFFFFFFFF  }
0xa7: {  	s28 =	simm.s32 $_size_execute0_lowered;
	s2 =	sadd.s32 s2, s4;
	[dreg:$0x0] =	wrdreg $0x0  }
0xa8: {  	s4 =	sshll.u32 s28, $0x1;
	[dreg:$0x2] =	wrdreg s2  }
0xa9: {  	[dreg:$0x3] =	wrdreg s4  }
0xaa: {  	[dreg:$0x4] =	wrdreg $0xC0  }
0xab: {  	_ =	task [dreg:s6], $0x5FFFF  }
0xac: {  	[dreg:$0x1] =	wrdreg $0xFFFFFFFF  }
0xad: {  	[dreg:$0x0] =	wrdreg $0x60  }
0xae: {  	[dreg:$0x2] =	wrdreg s24  }
0xaf: {  	[dreg:$0x3] =	wrdreg $0x9F000  }
0xb0: {  	[dreg:$0x4] =	wrdreg $0x9  }
0xb1: {  	_ =	task.clear_ibuf [dreg:s6], $0x5FFFF;
	_ =	strace $0x90000049  }
0xb2: {  	s29 =	simm.s32 $0x9;
	_ =	strace $0x8000004B  }
0xb3: {  	_ =	swait.ge [sflag:s29], $0x1  }
0xb4: {  	[sflag:s29] =	ssyncadd.s32 $0xFFFFFFFF  }
0xb5: {  	_ =	strace $0x9000004B  }
0xb6: {  	_ =	sfence  }
0xb7: {  	s30 =	sld [smem:$0x0];
	_ =	sdelay $0x2  }
0xb8: {  	s31 =	sshll.u32 s1, $0xD;
	s1 =	sshrl.u32 s1, $0x2  }
0xb9: {  	s3 =	sand.u32 $0x4000, s31;
	s1 =	sadd.s32 s1, s30  }
0xba: {  	s0 =	sor.u32 s3, s0;
	s1 =	sshll.u32 s1, $0x11  }
0xbb: {  	s0 =	sor.u32 s1, s0  }
0xbc: {  	s0 =	sadd.s32 $0x8F2B, s0  }
0xbd: {  	[sflag:s0] =	ssyncadd.remote.s32 $0x1  }
0xbe: {  	_ =	sfence.sel $0xFFFF  }
0xbf: {  	[dreg:$0x0] =	wrdreg $0xFFFFFFFF;
	(pc) =	sbr.abs _section_cstart, $3  }
0xc0: {  	[dreg:$0x1] =	wrdreg $0xFFFFFFFF  }
0xc1: {  	_ =	task.clear_ibuf [dreg:s6], $0x2FFFF;
	_ =	strace $0x9FFFFFFF  }
0xc2: {  	(tm) =	ssettm $0x7FFFFFFF  }
0xc3: {  	_ =	shalt  }
tec
execute0_lowered:
.L_overlay_start_1:
0x0: {  	(tag) =	ssettag $0x1  }
0x1: {  	s1 =	srdreg.scid;
	s5 =	rddreg [dreg:$0x0]  }
0x2: {  	s0 =	stileid.u32;
	s2 =	rddreg [dreg:$0x1]  }
0x3: {  	s3 =	simm.s32 $0x0;
	s14 =	simm.s32 $0x50;
	s15 =	simm.s32 $0x4F00  }
0x4: {  	s16 =	simm.s32 $0x7700;
	s17 =	simm.s32 $0x1;
	s18 =	simm.s32 $0x2  }
0x5: {  	s19 =	simm.s32 $0x4E40;
	s20 =	simm.s32 $0x0;
	s6 =	sand.u32 $0x1, s1  }
0x6: {  	s26 =	sshll.u32 s0, $0x1;
	[smem:$0x7FF] =	sst s3;
	s9 =	smul.u32 $0x14000, s0  }
0x7: {  	s4 =	sadd.s32 $0x66800, s5;
	s10 =	sadd.s32 $0xB6800, s5;
	s12 =	smul.u32 $0x50000, s0  }
0x8: {  	s30 =	smul.u32 $0x2800, s0;
	s31 =	sshll.u32 s0, $0x6;
	s1 =	sor.u32 s6, s26  }
0x9: {  	s8 =	smul.u32 $0x140000, s6;
	s28 =	ssub.s32 $0x2, s6;
	p0 =	seq.s32 s6, $0x0  }
0xa: {  	s7 =	smul.u32 $0x4E2, s1;
	s1 =	rddreg [dreg:$0x2];
	_ =	strace $0x8000004A  }
0xb: {  	s11 =	sshrl.u32 s28, $0x1;
	s29 =	sshrl.u32 s12, $0x2;
	s10 =	smov.u32 @p0 s4  }
0xc: {  	s12 =	sor.u32 $0x1C03, s31;
	s8 =	sadd.s32 s9, s8;
	s9 =	ssub.s32 s28, s11  }
0xd: {  	s13 =	sadd.s32 s29, s2;
	s11 =	simm.s32 $0x2780;
	s8 =	sshrl.u32 s8, $0x3  }
0xe: {  	s7 =	sadd.s32 s7, s5;
	s13 =	sshrl.u32 s13, $0x3;
	s8 =	sadd.s32 s8, s5  }
0xf: {  	s5 =	sadd.s32 $0x2C00, s7;
	s6 =	sadd.s32 $0xCA00, s7;
	s7 =	sadd.s32 $0xDE800, s8  }
0x10: {  	s8 =	smax.u32 s9, $0x1;
	s9 =	sadd.s32 s10, s30;
	s10 =	simm.s32 $0x3  }
.LBB2_1:
0x11: {  	[tilespmem:s3], [sflag:$0x3] =	stream.linear.gather [hbm4b:s5+s3], $0x2710, $0x38;
	[tilespmem:$0x1DF00] =	vst v63  }
0x12: {  	_ =	swait.ge [sflag:s10], $0x2710  }
0x13: {  	[sflag:s10] =	ssyncset.done $0x0  }
0x14: {  	[sflag:s10] =	ssyncadd.s32 $0xFFFFD8F0  }
0x15: {  	[tilespmem:s11], [sflag:$0x3] =	stream.linear.gather [hbm4b:s6+s3], $0x2710, $0x38;
	[tilespmem:$0x1DF00] =	vst v63  }
0x16: {  	_ =	swait.ge [sflag:s10], $0x2710  }
0x17: {  	[sflag:s10] =	ssyncset.done $0x0  }
0x18: {  	[sflag:s10] =	ssyncadd.s32 $0xFFFFD8F0  }
0x19: {  	[spmem:s13], [sflag:s12] =	dma.local [hbm:s9], $0x2800  }
0x1a: {  	_ =	swait.ge [sflag:s10], $0x2800  }
0x1b: {  	[sflag:s10] =	ssyncset.done $0x0  }
0x1c: {  	[sflag:s10] =	ssyncadd.s32 $0xFFFFD800  }
0x1d: {  	[bflag:$0x0] =	sbarrier.arrive $0xFFFF  }
0x1e: {  	[tilespmem:s15], [sflag:$0x1] =	stream.indirect.gather [hbm4b:s4+s14], $0x80, s3, s14, $0xb8;
	[tilespmem:$0x1DF00] =	vst v63  }
0x1f: {  	s21 =	simm.s32 $0x50  }
0x20: {  	[tilespmem:s16], [sflag:$0x2] =	stream.indirect.gather [hbm4b:s4+s14], $0x80, s21, s14, $0xb8;
	[tilespmem:$0x1DF00] =	vst v63  }
0x21: {  	_ =	swait.ge [sflag:s17], $0x2800  }
0x22: {  	[sflag:s17] =	ssyncset.done $0x0  }
0x23: {  	s29 =	simm.s32 $0x2780;
	[sflag:s17] =	ssyncadd.s32 $0xFFFFD800  }
0x24: {  	[spmem:s2] =	stream.indirect.scatter.add.f32 [tilespmem:s15], [sflag:$0x3], $0x80, s29, s14, $0xb8;
	[tilespmem:$0x1DF00] =	vst v63  }
0x25: {  	_ =	swait.ge [sflag:s10], $0x2800  }
0x26: {  	[sflag:s10] =	ssyncset.done $0x0  }
0x27: {  	s30 =	simm.s32 $0xA0;
	[sflag:s10] =	ssyncadd.s32 $0xFFFFD800  }
0x28: {  	[tilespmem:s15], [sflag:$0x1] =	stream.indirect.gather [hbm4b:s4+s14], $0x80, s30, s14, $0xb8;
	[tilespmem:$0x1DF00] =	vst v63  }
0x29: {  	_ =	swait.ge [sflag:s18], $0x2800  }
0x2a: {  	[sflag:s18] =	ssyncset.done $0x0  }
0x2b: {  	s31 =	simm.s32 $0x27D0;
	[sflag:s18] =	ssyncadd.s32 $0xFFFFD800  }
0x2c: {  	[spmem:s2] =	stream.indirect.scatter.add.f32 [tilespmem:s16], [sflag:$0x3], $0x80, s31, s14, $0xb8;
	[tilespmem:$0x1DF00] =	vst v63  }
0x2d: {  	_ =	swait.ge [sflag:s10], $0x2800  }
0x2e: {  	s22 =	simm.s32 $0x500;
	s21 =	simm.s32 $0xA0;
	[sflag:s10] =	ssyncset.done $0x0  }
.LBB2_2:
0x2f: {  	s23 =	sadd.s32 $0x50, s21  }
0x30: {  	[sflag:s10] =	ssyncadd.s32 $0xFFFFD800;
	s24 =	smov.u32 s22;
	s25 =	sadd.s32 $0x280, s22  }
0x31: {  	[tilespmem:s16], [sflag:$0x2] =	stream.indirect.gather [hbm4b:s4+s14], $0x80, s23, s14, $0xb8;
	[tilespmem:$0x1DF00] =	vst v63  }
0x32: {  	p0 =	sne.s32 s22, $0x9880;
	_ =	swait.ge [sflag:s17], $0x2800  }
0x33: {  	[sflag:s17] =	ssyncset.done $0x0  }
0x34: {  	s22 =	sadd.s32 $0x2780, s21;
	[sflag:s17] =	ssyncadd.s32 $0xFFFFD800  }
0x35: {  	[spmem:s2] =	stream.indirect.scatter.add.f32 [tilespmem:s15], [sflag:$0x3], $0x80, s22, s14, $0xb8;
	[tilespmem:$0x1DF00] =	vst v63  }
0x36: {  	_ =	swait.ge [sflag:s10], $0x2800  }
0x37: {  	[sflag:s10] =	ssyncset.done $0x0  }
0x38: {  	s22 =	sadd.s32 $0xA0, s21;
	[sflag:s10] =	ssyncadd.s32 $0xFFFFD800  }
0x39: {  	[tilespmem:s15], [sflag:$0x1] =	stream.indirect.gather [hbm4b:s4+s14], $0x80, s22, s14, $0xb8;
	[tilespmem:$0x1DF00] =	vst v63  }
0x3a: {  	_ =	swait.ge [sflag:s18], $0x2800  }
.Ltmp0:
0x3b: {  	[sflag:s18] =	ssyncset.done $0x0;
	(pc) =	sbr.rel @p0 .LBB2_2-.Ltmp0, $4  }
0x3c: {  	s21 =	sadd.s32 $0x27D0, s21;
	[sflag:s18] =	ssyncadd.s32 $0xFFFFD800  }
0x3d: {  	[spmem:s2] =	stream.indirect.scatter.add.f32 [tilespmem:s16], [sflag:$0x3], $0x80, s21, s14, $0xb8;
	[tilespmem:$0x1DF00] =	vst v63  }
0x3e: {  	_ =	swait.ge [sflag:s10], $0x2800  }
0x3f: {  	s22 =	smov.u32 s25;
	s21 =	sshra.s32 s24, $0x2;
	[sflag:s10] =	ssyncset.done $0x0  }
0x40: {  	s22 =	sadd.s32 $0x50, s21;
	[sflag:s10] =	ssyncadd.s32 $0xFFFFD800  }
0x41: {  	[tilespmem:s16], [sflag:$0x2] =	stream.indirect.gather [hbm4b:s4+s14], $0x80, s22, s14, $0xb8;
	[tilespmem:$0x1DF00] =	vst v63  }
0x42: {  	_ =	swait.ge [sflag:s17], $0x2800  }
0x43: {  	[sflag:s17] =	ssyncset.done $0x0  }
0x44: {  	s29 =	sadd.s32 $0x2780, s21;
	[sflag:s17] =	ssyncadd.s32 $0xFFFFD800  }
0x45: {  	[spmem:s2] =	stream.indirect.scatter.add.f32 [tilespmem:s15], [sflag:$0x3], $0x80, s29, s14, $0xb8;
	[tilespmem:$0x1DF00] =	vst v63  }
0x46: {  	_ =	swait.ge [sflag:s10], $0x2800  }
0x47: {  	[sflag:s10] =	ssyncset.done $0x0  }
0x48: {  	s30 =	sadd.s32 $0xA0, s21;
	[sflag:s10] =	ssyncadd.s32 $0xFFFFD800  }
0x49: {  	[tilespmem:s15], [sflag:$0x1] =	stream.indirect.gather [hbm4b:s4+s14], $0x80, s30, s14, $0xb8;
	[tilespmem:$0x1DF00] =	vst v63  }
0x4a: {  	_ =	swait.ge [sflag:s18], $0x2800  }
0x4b: {  	[sflag:s18] =	ssyncset.done $0x0  }
0x4c: {  	s31 =	sadd.s32 $0x27D0, s21;
	[sflag:s18] =	ssyncadd.s32 $0xFFFFD800  }
0x4d: {  	[spmem:s2] =	stream.indirect.scatter.add.f32 [tilespmem:s16], [sflag:$0x3], $0x80, s31, s14, $0xb8;
	[tilespmem:$0x1DF00] =	vst v63  }
0x4e: {  	_ =	swait.ge [sflag:s10], $0x2800  }
0x4f: {  	[sflag:s10] =	ssyncset.done $0x0  }
0x50: {  	[sflag:s10] =	ssyncadd.s32 $0xFFFFD800  }
0x51: {  	_ =	swait.ge [sflag:s17], $0x2800  }
0x52: {  	[sflag:s17] =	ssyncset.done $0x0  }
0x53: {  	[sflag:s17] =	ssyncadd.s32 $0xFFFFD800  }
0x54: {  	[spmem:s2] =	stream.indirect.scatter.add.f32 [tilespmem:s15], [sflag:$0x3], $0x80, s19, s14, $0xb8;
	[tilespmem:$0x1DF00] =	vst v63  }
0x55: {  	_ =	swait.ge [sflag:s10], $0x2800  }
0x56: {  	s20 =	sadd.s32 $0x1, s20;
	[sflag:s10] =	ssyncset.done $0x0  }
0x57: {  	p0 =	sne.s32 s20, s8;
	[sflag:s10] =	ssyncadd.s32 $0xFFFFD800  }
.Ltmp1:
0x58: {  	[bflag:$0x0] =	sbarrier.arrive $0xFFFF;
	(pc) =	sbr.rel @p0 .LBB2_1-.Ltmp1, $4  }
0x59: {  	[hbm:s7], [sflag:s12] =	dma.local [spmem:s13], $0x2800  }
0x5a: {  	_ =	swait.ge [sflag:s10], $0x2800  }
0x5b: {  	[sflag:s10] =	ssyncset.done $0x0  }
0x5c: {  	[sflag:s10] =	ssyncadd.s32 $0xFFFFD800  }
0x5d: {  	_ =	sfence.sel $0x180000  }
0x5e: {  	[bflag:$0x0] =	sbarrier.arrive $0xFFFF  }
0x5f: {  	p0 =	sne.s32 s0, $0x0;
	_ =	strace $0x9000004A  }
0x60: {  	s0 =	sadd.s32 @!p0 $0x100000, s1;
	[bflag:$0x2] =	sbarrier.arrive $0xFFFF  }
0x61: {  	[sflag:s0] =	ssyncadd.tile.s32 @!p0 $0x1;
	_ =	shalt  }
.Lfunc_end2:
_tile_overlayer_lowered:
.L_overlay_start_2:
0x62: {  	(tag) =	ssettag $0x2  }
0x63: {  	s0 =	rddreg [dreg:$0x0];
	s2 =	stileid.u32  }
0x64: {  	s1 =	rddreg [dreg:$0x1];
	p0 =	sne.s32 s2, $0x0  }
0x65: {  	s3 =	rddreg [dreg:$0x2];
	[bflag:$0x3] =	sbarrier.arrive $0xFFFF;
	s2 =	simm.s32 @!p0 $0x1C03  }
0x66: {  	[timem:s3], [sflag:s2] =	dma.local @!p0 [hbm:s0], s1  }
0x67: {  	s0 =	simm.s32 @!p0 $0x3  }
0x68: {  	_ =	swait.ge @!p0 [sflag:s0], s1  }
0x69: {  	s1 =	ssub.s32 @!p0 $0x0, s1;
	[sflag:s0] =	ssyncset.done @!p0 $0x0  }
0x6a: {  	[sflag:s0] =	ssyncadd.s32 @!p0 s1  }
0x6b: {  	[bflag:$0x3] =	sbarrier.arrive $0xFFFF  }
0x6c: {  	_ =	shalt  }

// kernel: kernel.16.cloned.1.call-start
scs
__scs_entry_jumppad:
0x0: {  	(pc) =	sbr.rel $0x88, $3  }
0x1: {  	(tag) =	ssettag $0x0;
	lr =	simm.s32 $0x1  }
0x2: {  	[smem:$0x3F96] =	sst lr;
	_ =	strace $0xD0000000  }
0x3: {  	_ = 	snop  }
0x4: {  	_ = 	snop  }
0x5: {  	_ = 	snop  }
0x6: {  	_ = 	snop  }
0x7: {  	_ = 	snop  }
__scs_overlays_trampoline_lowered:
0x8: {  	[smem:$0x3FA5] =	sst s0  }
0x9: {  	[smem:$0x3FA6] =	sst s1  }
0xa: {  	[smem:$0x3FA7] =	sst s2  }
0xb: {  	[smem:$0x3FA8] =	sst s3  }
0xc: {  	[smem:$0x3FA9] =	sst s4  }
0xd: {  	[smem:$0x3FAA] =	sst s5  }
0xe: {  	[smem:$0x3FAB] =	sst s6  }
0xf: {  	[smem:$0x3FAC] =	sst s7  }
0x10: {  	[smem:$0x3FAD] =	sst s8  }
0x11: {  	[smem:$0x3FAE] =	sst s9;
	s0 =	simm.s32 @!p0 $0x0  }
0x12: {  	s1 =	sld [smem:$0x3F94];
	s0 =	simm.s32 @p0 $0x1  }
0x13: {  	[smem:$0x3FAF] =	sst s0;
	s0 =	simm.s32 @!p1 $0x0  }
0x14: {  	s2 =	sld [smem:$0x3F93];
	s0 =	simm.s32 @p1 $0x1  }
0x15: {  	[smem:$0x3FB0] =	sst s0;
	s0 =	simm.s32 @!p2 $0x0  }
0x16: {  	s3 =	sld [smem:$0x3FDB];
	s0 =	simm.s32 @p2 $0x1  }
0x17: {  	s4 =	simm.s32 $0x1BF5;
	[smem:$0x3FB2] =	sst s0  }
0x18: {  	s0 =	sld [smem:$0x3F95];
	_ =	swait.ge [sflag:s4], $0x0  }
0x19: {  	s7 =	sld [smem:$0x3F96]  }
0x1a: {  	s8 =	sadd.s32 $0xFFFFE003, lr  }
0x1b: {  	s9 =	sadd.s32 $0xFFFFFEF7, lr;
	s5 =	simm.s32 $0xFFFFFFFF;
	p2 =	slt.u32 s8, $0xFFFFF086  }
0x1c: {  	p1 =	slt.u32 s9, $0xF7A;
	s5 =	simm.s32 @!p2 $0x0  }
0x1d: {  	s5 =	simm.s32 @p1 $0x1;
	p0 =	seq.s32 s7, s2  }
0x1e: {  	s7 =	smul.u32 @!p0 $0xF7A, s2;
	p2 =	seq.s32 @!p0 s5, $0x0  }
0x1f: {  	s9 =	smul.u32 $0xF7A, s1;
	s8 =	simm.s32 @!p0 $0x1BF5;
	p2 =	por !p2, p0  }
0x20: {  	[sflag:s8] =	ssyncset.s32 @!p0 $0xFFFFF086;
	s6 =	sadd.s32 @!p0 s3, s7;
	s7 =	simm.s32 @!p0 $0x108  }
0x21: {  	s3 =	sadd.s32 s3, s9;
	s6 =	sadd.s32 @!p0 $0x88, s6;
	s7 =	simm.s32 @p2 $0x1082  }
0x22: {  	[simem:s7], [sflag:s8] =	dma.local @!p0 [hbm:s6], $0xF7A  }
0x23: {  	s9 =	sor.u32 $0xD0000000, s2;
	s6 =	simm.s32 $0x108;
	_ =	swait.ge @!p0 [sflag:s8], $0x0  }
0x24: {  	s3 =	sadd.s32 $0x88, s3;
	s6 =	simm.s32 @!p1 $0x1082;
	[sflag:s4] =	ssyncset.s32 $0xFFFFF086  }
0x25: {  	[simem:s6], [sflag:s4] =	dma.local [hbm:s3], $0xF7A  }
0x26: {  	[smem:$0x3F96] =	sst s1;
	(tag) =	ssettag s2;
	_ =	strace s9  }
0x27: {  	s1 =	sld [smem:$0x3FA6]  }
0x28: {  	s2 =	sld [smem:$0x3FA7]  }
0x29: {  	s4 =	sld [smem:$0x3FA9]  }
0x2a: {  	p0 =	seq.s32 s5, $0x0;
	s5 =	sld [smem:$0x3FAA]  }
0x2b: {  	s6 =	sld [smem:$0x3FAB]  }
0x2c: {  	s7 =	sld [smem:$0x3FAC]  }
0x2d: {  	s3 =	simm.s32 $0x108;
	s8 =	sld [smem:$0x3FAD]  }
0x2e: {  	s3 =	simm.s32 @!p0 $0x1082;
	s9 =	sld [smem:$0x3FAE]  }
0x2f: {  	lr =	sadd.s32 s0, s3;
	s0 =	sld [smem:$0x3FA5]  }
0x30: {  	s3 =	sld [smem:$0x3FA8]  }
0x31: {  	[smem:$0x3FB1] =	sst s10  }
0x32: {  	s10 =	sld [smem:$0x3FAF];
	_ =	sdelay $0x3  }
0x33: {  	p0 =	seq.s32 s10, $0x1;
	s10 =	sld [smem:$0x3FB1];
	_ =	sdelay $0x3  }
0x34: {  	[smem:$0x3FB1] =	sst s10  }
0x35: {  	s10 =	sld [smem:$0x3FB0];
	_ =	sdelay $0x3  }
0x36: {  	p1 =	seq.s32 s10, $0x1;
	s10 =	sld [smem:$0x3FB1];
	_ =	sdelay $0x3  }
0x37: {  	[smem:$0x3FB1] =	sst s10  }
0x38: {  	s10 =	sld [smem:$0x3FB2]  }
0x39: {  	_ = 	snop;
	(pc) =	sbr.ind lr, $3  }
0x3a: {  	_ = 	snop  }
0x3b: {  	_ = 	snop  }
0x3c: {  	p2 =	seq.s32 s10, $0x1;
	s10 =	sld [smem:$0x3FB1]  }
0x3d: {  	_ =	shalt  }
0x3e: {  	_ =	shalt  }
0x3f: {  	_ =	shalt  }
0x40: {  	_ =	shalt  }
0x41: {  	_ =	shalt  }
0x42: {  	_ =	shalt  }
0x43: {  	_ =	shalt  }
0x44: {  	_ =	shalt  }
0x45: {  	_ =	shalt  }
0x46: {  	_ =	shalt  }
0x47: {  	_ =	shalt  }
0x48: {  	_ =	shalt  }
0x49: {  	_ =	shalt  }
0x4a: {  	_ =	shalt  }
0x4b: {  	_ =	shalt  }
0x4c: {  	_ =	shalt  }
0x4d: {  	_ =	shalt  }
0x4e: {  	_ =	shalt  }
0x4f: {  	_ =	shalt  }
0x50: {  	_ =	shalt  }
0x51: {  	_ =	shalt  }
0x52: {  	_ =	shalt  }
0x53: {  	_ =	shalt  }
0x54: {  	_ =	shalt  }
0x55: {  	_ =	shalt  }
0x56: {  	_ =	shalt  }
0x57: {  	_ =	shalt  }
0x58: {  	_ =	shalt  }
0x59: {  	_ =	shalt  }
0x5a: {  	_ =	shalt  }
0x5b: {  	_ =	shalt  }
0x5c: {  	_ =	shalt  }
0x5d: {  	_ =	shalt  }
0x5e: {  	_ =	shalt  }
0x5f: {  	_ =	shalt  }
0x60: {  	_ =	shalt  }
0x61: {  	_ =	shalt  }
0x62: {  	_ =	shalt  }
0x63: {  	_ =	shalt  }
0x64: {  	_ =	shalt  }
0x65: {  	_ =	shalt  }
0x66: {  	_ =	shalt  }
0x67: {  	_ =	shalt  }
0x68: {  	_ =	shalt  }
0x69: {  	_ =	shalt  }
0x6a: {  	_ =	shalt  }
0x6b: {  	_ =	shalt  }
0x6c: {  	_ =	shalt  }
0x6d: {  	_ =	shalt  }
0x6e: {  	_ =	shalt  }
0x6f: {  	_ =	shalt  }
0x70: {  	_ =	shalt  }
0x71: {  	_ =	shalt  }
0x72: {  	_ =	shalt  }
0x73: {  	_ =	shalt  }
0x74: {  	_ =	shalt  }
0x75: {  	_ =	shalt  }
0x76: {  	_ =	shalt  }
0x77: {  	_ =	shalt  }
0x78: {  	_ =	shalt  }
0x79: {  	_ =	shalt  }
0x7a: {  	_ =	shalt  }
0x7b: {  	_ =	shalt  }
0x7c: {  	_ =	shalt  }
0x7d: {  	_ =	shalt  }
0x7e: {  	_ =	shalt  }
0x7f: {  	_ =	shalt  }
0x80: {  	_ =	shalt  }
0x81: {  	_ =	shalt  }
0x82: {  	_ =	shalt  }
0x83: {  	_ =	shalt  }
0x84: {  	_ =	shalt  }
0x85: {  	_ =	shalt  }
0x86: {  	_ =	shalt  }
0x87: {  	_ =	shalt  }
.Lfunc_end0:
.L_simem_size_0:
called_computation.2_lowered:
.L_overlay_start_0:
0x88: {  	s2 =	sld [smem:$0x3FD9]  }
0x89: {  	s3 =	sld [smem:$0x3FFE];
	_ =	sdelay $0x1  }
0x8a: {  	s1 =	srdreg.scid  }
0x8b: {  	s0 =	sand.u32 $0x1, s1  }
0x8c: {  	s16 =	sshll.u32 s0, $0xA;
	s2 =	sadd.s32 s3, s2  }
0x8d: {  	s2 =	sadd.s32 s2, s16  }
0x8e: {  	[smem:$0x3FBD] =	sst s2  }
0x8f: {  	_ = 	snop  }
0x90: {  	(tm) =	ssettm $0x1  }
0x91: {  	s17 =	sld [smem:$0x3FFB];
	_ =	sdelay $0x3  }
0x92: {  	_ =	strace s17  }
0x93: {  	s2 =	sld [smem:$0x3FFC];
	_ =	sdelay $0x3  }
0x94: {  	_ =	strace s2  }
0x95: {  	s2 =	sld [smem:$0x3FFD];
	_ =	sdelay $0x3  }
0x96: {  	_ =	strace s2  }
0x97: {  	_ =	strace $0x8FFFFFFF  }
0x98: {  	s18 =	sld [smem:$0x3FDB];
	_ =	sdelay $0x1  }
0x99: {  	s19 =	simm.s32 $_scs_section_size  }
0x9a: {  	s4 =	simm.s32 $_size__tile_overlayer_lowered;
	s5 =	simm.s32 $_tile_overlayer_lowered  }
0x9b: {  	s22 =	simm.s32 $0x1BFF;
	s21 =	sshll.u32 s5, $0x1;
	s2 =	sadd.s32 s19, s18  }
0x9c: {  	s6 =	simm.s32 $0x0;
	s20 =	sshll.u32 s4, $0x1;
	s4 =	sadd.s32 s21, s2  }
0x9d: {  	[timem:s6], [sflag:s22] =	dma.local [hbm:s4], s20  }
0x9e: {  	_ =	swait.ge [sflag:s22], s20  }
0x9f: {  	s3 =	ssub.s32 $0x0, s20;
	[sflag:s22] =	ssyncset.done $0x0  }
0xa0: {  	[sflag:s22] =	ssyncadd.s32 s3;
	_ =	sdelay $0x1  }
0xa1: {  	s23 =	simm.s32 $0x1B8B  }
0xa2: {  	_ =	swait.ge [sflag:s23], $0x1  }
0xa3: {  	[sflag:s23] =	ssyncset.done $0x0  }
0xa4: {  	s25 =	simm.s32 $0x1B8E;
	s24 =	sld [smem:$0x3FFE];
	[sflag:s23] =	ssyncadd.s32 $0xFFFFFFFF  }
0xa5: {  	s26 =	simm.s32 $execute0_lowered;
	[smem:$0x3FD2] =	sst s25  }
0xa6: {  	s4 =	sshll.u32 s26, $0x1;
	_ =	strace $0x8000004C;
	[dreg:$0x1] =	wrdreg $0xFFFFFFFF  }
0xa7: {  	s28 =	simm.s32 $_size_execute0_lowered;
	s2 =	sadd.s32 s2, s4;
	[dreg:$0x0] =	wrdreg $0x0  }
0xa8: {  	s4 =	sshll.u32 s28, $0x1;
	[dreg:$0x2] =	wrdreg s2  }
0xa9: {  	[dreg:$0x3] =	wrdreg s4  }
0xaa: {  	[dreg:$0x4] =	wrdreg $0xC0  }
0xab: {  	_ =	task [dreg:s6], $0x5FFFF  }
0xac: {  	[dreg:$0x1] =	wrdreg $0xFFFFFFFF  }
0xad: {  	[dreg:$0x0] =	wrdreg $0x60  }
0xae: {  	[dreg:$0x2] =	wrdreg s24  }
0xaf: {  	[dreg:$0x3] =	wrdreg $0x9F000  }
0xb0: {  	[dreg:$0x4] =	wrdreg $0x9  }
0xb1: {  	_ =	task.clear_ibuf [dreg:s6], $0x5FFFF;
	_ =	strace $0x9000004C  }
0xb2: {  	s29 =	simm.s32 $0x9;
	_ =	strace $0x8000004E  }
0xb3: {  	_ =	swait.ge [sflag:s29], $0x1  }
0xb4: {  	[sflag:s29] =	ssyncadd.s32 $0xFFFFFFFF  }
0xb5: {  	_ =	strace $0x9000004E  }
0xb6: {  	_ =	sfence  }
0xb7: {  	s30 =	sld [smem:$0x0];
	_ =	sdelay $0x2  }
0xb8: {  	s31 =	sshll.u32 s1, $0xD;
	s1 =	sshrl.u32 s1, $0x2  }
0xb9: {  	s3 =	sand.u32 $0x4000, s31;
	s1 =	sadd.s32 s1, s30  }
0xba: {  	s0 =	sor.u32 s3, s0;
	s1 =	sshll.u32 s1, $0x11  }
0xbb: {  	s0 =	sor.u32 s1, s0  }
0xbc: {  	s0 =	sadd.s32 $0x8F2B, s0  }
0xbd: {  	[sflag:s0] =	ssyncadd.remote.s32 $0x1  }
0xbe: {  	_ =	sfence.sel $0xFFFF  }
0xbf: {  	[dreg:$0x0] =	wrdreg $0xFFFFFFFF;
	(pc) =	sbr.abs _section_cstart, $3  }
0xc0: {  	[dreg:$0x1] =	wrdreg $0xFFFFFFFF  }
0xc1: {  	_ =	task.clear_ibuf [dreg:s6], $0x2FFFF;
	_ =	strace $0x9FFFFFFF  }
0xc2: {  	(tm) =	ssettm $0x7FFFFFFF  }
0xc3: {  	_ =	shalt  }
tec
execute0_lowered:
.L_overlay_start_1:
0x0: {  	(tag) =	ssettag $0x1  }
0x1: {  	s1 =	srdreg.scid;
	s5 =	rddreg [dreg:$0x0]  }
0x2: {  	s0 =	stileid.u32;
	s2 =	rddreg [dreg:$0x1]  }
0x3: {  	s3 =	simm.s32 $0x0;
	s14 =	simm.s32 $0x50;
	s15 =	simm.s32 $0x4F00  }
0x4: {  	s16 =	simm.s32 $0x7700;
	s17 =	simm.s32 $0x1;
	s18 =	simm.s32 $0x2  }
0x5: {  	s19 =	simm.s32 $0x4E40;
	s20 =	simm.s32 $0x0;
	s6 =	sand.u32 $0x1, s1  }
0x6: {  	s26 =	sshll.u32 s0, $0x1;
	[smem:$0x7FF] =	sst s3;
	s9 =	smul.u32 $0x14000, s0  }
0x7: {  	s4 =	sadd.s32 $0x66800, s5;
	s10 =	sadd.s32 $0xB6800, s5;
	s12 =	smul.u32 $0x50000, s0  }
0x8: {  	s30 =	smul.u32 $0x2800, s0;
	s31 =	sshll.u32 s0, $0x6;
	s1 =	sor.u32 s6, s26  }
0x9: {  	s8 =	smul.u32 $0x140000, s6;
	s28 =	ssub.s32 $0x2, s6;
	p0 =	seq.s32 s6, $0x0  }
0xa: {  	s7 =	smul.u32 $0x4E2, s1;
	s1 =	rddreg [dreg:$0x2];
	_ =	strace $0x8000004D  }
0xb: {  	s11 =	sshrl.u32 s28, $0x1;
	s29 =	sshrl.u32 s12, $0x2;
	s10 =	smov.u32 @p0 s4  }
0xc: {  	s12 =	sor.u32 $0x1C03, s31;
	s8 =	sadd.s32 s9, s8;
	s9 =	ssub.s32 s28, s11  }
0xd: {  	s13 =	sadd.s32 s29, s2;
	s11 =	simm.s32 $0x2780;
	s8 =	sshrl.u32 s8, $0x3  }
0xe: {  	s7 =	sadd.s32 s7, s5;
	s13 =	sshrl.u32 s13, $0x3;
	s8 =	sadd.s32 s8, s5  }
0xf: {  	s5 =	sadd.s32 $0x2C00, s7;
	s6 =	sadd.s32 $0xCA00, s7;
	s7 =	sadd.s32 $0xDE800, s8  }
0x10: {  	s8 =	smax.u32 s9, $0x1;
	s9 =	sadd.s32 s10, s30;
	s10 =	simm.s32 $0x3  }
.LBB2_1:
0x11: {  	[tilespmem:s3], [sflag:$0x3] =	stream.linear.gather [hbm4b:s5+s3], $0x2710, $0x38;
	[tilespmem:$0x1DF00] =	vst v63  }
0x12: {  	_ =	swait.ge [sflag:s10], $0x2710  }
0x13: {  	[sflag:s10] =	ssyncset.done $0x0  }
0x14: {  	[sflag:s10] =	ssyncadd.s32 $0xFFFFD8F0  }
0x15: {  	[tilespmem:s11], [sflag:$0x3] =	stream.linear.gather [hbm4b:s6+s3], $0x2710, $0x38;
	[tilespmem:$0x1DF00] =	vst v63  }
0x16: {  	_ =	swait.ge [sflag:s10], $0x2710  }
0x17: {  	[sflag:s10] =	ssyncset.done $0x0  }
0x18: {  	[sflag:s10] =	ssyncadd.s32 $0xFFFFD8F0  }
0x19: {  	[spmem:s13], [sflag:s12] =	dma.local [hbm:s9], $0x2800  }
0x1a: {  	_ =	swait.ge [sflag:s10], $0x2800  }
0x1b: {  	[sflag:s10] =	ssyncset.done $0x0  }
0x1c: {  	[sflag:s10] =	ssyncadd.s32 $0xFFFFD800  }
0x1d: {  	[bflag:$0x0] =	sbarrier.arrive $0xFFFF  }
0x1e: {  	[tilespmem:s15], [sflag:$0x1] =	stream.indirect.gather [hbm4b:s4+s14], $0x80, s3, s14, $0xb8;
	[tilespmem:$0x1DF00] =	vst v63  }
0x1f: {  	s21 =	simm.s32 $0x50  }
0x20: {  	[tilespmem:s16], [sflag:$0x2] =	stream.indirect.gather [hbm4b:s4+s14], $0x80, s21, s14, $0xb8;
	[tilespmem:$0x1DF00] =	vst v63  }
0x21: {  	_ =	swait.ge [sflag:s17], $0x2800  }
0x22: {  	[sflag:s17] =	ssyncset.done $0x0  }
0x23: {  	s29 =	simm.s32 $0x2780;
	[sflag:s17] =	ssyncadd.s32 $0xFFFFD800  }
0x24: {  	[spmem:s2] =	stream.indirect.scatter.add.f32 [tilespmem:s15], [sflag:$0x3], $0x80, s29, s14, $0xb8;
	[tilespmem:$0x1DF00] =	vst v63  }
0x25: {  	_ =	swait.ge [sflag:s10], $0x2800  }
0x26: {  	[sflag:s10] =	ssyncset.done $0x0  }
0x27: {  	s30 =	simm.s32 $0xA0;
	[sflag:s10] =	ssyncadd.s32 $0xFFFFD800  }
0x28: {  	[tilespmem:s15], [sflag:$0x1] =	stream.indirect.gather [hbm4b:s4+s14], $0x80, s30, s14, $0xb8;
	[tilespmem:$0x1DF00] =	vst v63  }
0x29: {  	_ =	swait.ge [sflag:s18], $0x2800  }
0x2a: {  	[sflag:s18] =	ssyncset.done $0x0  }
0x2b: {  	s31 =	simm.s32 $0x27D0;
	[sflag:s18] =	ssyncadd.s32 $0xFFFFD800  }
0x2c: {  	[spmem:s2] =	stream.indirect.scatter.add.f32 [tilespmem:s16], [sflag:$0x3], $0x80, s31, s14, $0xb8;
	[tilespmem:$0x1DF00] =	vst v63  }
0x2d: {  	_ =	swait.ge [sflag:s10], $0x2800  }
0x2e: {  	s22 =	simm.s32 $0x500;
	s21 =	simm.s32 $0xA0;
	[sflag:s10] =	ssyncset.done $0x0  }
.LBB2_2:
0x2f: {  	s23 =	sadd.s32 $0x50, s21  }
0x30: {  	[sflag:s10] =	ssyncadd.s32 $0xFFFFD800;
	s24 =	smov.u32 s22;
	s25 =	sadd.s32 $0x280, s22  }
0x31: {  	[tilespmem:s16], [sflag:$0x2] =	stream.indirect.gather [hbm4b:s4+s14], $0x80, s23, s14, $0xb8;
	[tilespmem:$0x1DF00] =	vst v63  }
0x32: {  	p0 =	sne.s32 s22, $0x9880;
	_ =	swait.ge [sflag:s17], $0x2800  }
0x33: {  	[sflag:s17] =	ssyncset.done $0x0  }
0x34: {  	s22 =	sadd.s32 $0x2780, s21;
	[sflag:s17] =	ssyncadd.s32 $0xFFFFD800  }
0x35: {  	[spmem:s2] =	stream.indirect.scatter.add.f32 [tilespmem:s15], [sflag:$0x3], $0x80, s22, s14, $0xb8;
	[tilespmem:$0x1DF00] =	vst v63  }
0x36: {  	_ =	swait.ge [sflag:s10], $0x2800  }
0x37: {  	[sflag:s10] =	ssyncset.done $0x0  }
0x38: {  	s22 =	sadd.s32 $0xA0, s21;
	[sflag:s10] =	ssyncadd.s32 $0xFFFFD800  }
0x39: {  	[tilespmem:s15], [sflag:$0x1] =	stream.indirect.gather [hbm4b:s4+s14], $0x80, s22, s14, $0xb8;
	[tilespmem:$0x1DF00] =	vst v63  }
0x3a: {  	_ =	swait.ge [sflag:s18], $0x2800  }
.Ltmp0:
0x3b: {  	[sflag:s18] =	ssyncset.done $0x0;
	(pc) =	sbr.rel @p0 .LBB2_2-.Ltmp0, $4  }
0x3c: {  	s21 =	sadd.s32 $0x27D0, s21;
	[sflag:s18] =	ssyncadd.s32 $0xFFFFD800  }
0x3d: {  	[spmem:s2] =	stream.indirect.scatter.add.f32 [tilespmem:s16], [sflag:$0x3], $0x80, s21, s14, $0xb8;
	[tilespmem:$0x1DF00] =	vst v63  }
0x3e: {  	_ =	swait.ge [sflag:s10], $0x2800  }
0x3f: {  	s22 =	smov.u32 s25;
	s21 =	sshra.s32 s24, $0x2;
	[sflag:s10] =	ssyncset.done $0x0  }
0x40: {  	s22 =	sadd.s32 $0x50, s21;
	[sflag:s10] =	ssyncadd.s32 $0xFFFFD800  }
0x41: {  	[tilespmem:s16], [sflag:$0x2] =	stream.indirect.gather [hbm4b:s4+s14], $0x80, s22, s14, $0xb8;
	[tilespmem:$0x1DF00] =	vst v63  }
0x42: {  	_ =	swait.ge [sflag:s17], $0x2800  }
0x43: {  	[sflag:s17] =	ssyncset.done $0x0  }
0x44: {  	s29 =	sadd.s32 $0x2780, s21;
	[sflag:s17] =	ssyncadd.s32 $0xFFFFD800  }
0x45: {  	[spmem:s2] =	stream.indirect.scatter.add.f32 [tilespmem:s15], [sflag:$0x3], $0x80, s29, s14, $0xb8;
	[tilespmem:$0x1DF00] =	vst v63  }
0x46: {  	_ =	swait.ge [sflag:s10], $0x2800  }
0x47: {  	[sflag:s10] =	ssyncset.done $0x0  }
0x48: {  	s30 =	sadd.s32 $0xA0, s21;
	[sflag:s10] =	ssyncadd.s32 $0xFFFFD800  }
0x49: {  	[tilespmem:s15], [sflag:$0x1] =	stream.indirect.gather [hbm4b:s4+s14], $0x80, s30, s14, $0xb8;
	[tilespmem:$0x1DF00] =	vst v63  }
0x4a: {  	_ =	swait.ge [sflag:s18], $0x2800  }
0x4b: {  	[sflag:s18] =	ssyncset.done $0x0  }
0x4c: {  	s31 =	sadd.s32 $0x27D0, s21;
	[sflag:s18] =	ssyncadd.s32 $0xFFFFD800  }
0x4d: {  	[spmem:s2] =	stream.indirect.scatter.add.f32 [tilespmem:s16], [sflag:$0x3], $0x80, s31, s14, $0xb8;
	[tilespmem:$0x1DF00] =	vst v63  }
0x4e: {  	_ =	swait.ge [sflag:s10], $0x2800  }
0x4f: {  	[sflag:s10] =	ssyncset.done $0x0  }
0x50: {  	[sflag:s10] =	ssyncadd.s32 $0xFFFFD800  }
0x51: {  	_ =	swait.ge [sflag:s17], $0x2800  }
0x52: {  	[sflag:s17] =	ssyncset.done $0x0  }
0x53: {  	[sflag:s17] =	ssyncadd.s32 $0xFFFFD800  }
0x54: {  	[spmem:s2] =	stream.indirect.scatter.add.f32 [tilespmem:s15], [sflag:$0x3], $0x80, s19, s14, $0xb8;
	[tilespmem:$0x1DF00] =	vst v63  }
0x55: {  	_ =	swait.ge [sflag:s10], $0x2800  }
0x56: {  	s20 =	sadd.s32 $0x1, s20;
	[sflag:s10] =	ssyncset.done $0x0  }
0x57: {  	p0 =	sne.s32 s20, s8;
	[sflag:s10] =	ssyncadd.s32 $0xFFFFD800  }
.Ltmp1:
0x58: {  	[bflag:$0x0] =	sbarrier.arrive $0xFFFF;
	(pc) =	sbr.rel @p0 .LBB2_1-.Ltmp1, $4  }
0x59: {  	[hbm:s7], [sflag:s12] =	dma.local [spmem:s13], $0x2800  }
0x5a: {  	_ =	swait.ge [sflag:s10], $0x2800  }
0x5b: {  	[sflag:s10] =	ssyncset.done $0x0  }
0x5c: {  	[sflag:s10] =	ssyncadd.s32 $0xFFFFD800  }
0x5d: {  	_ =	sfence.sel $0x180000  }
0x5e: {  	[bflag:$0x0] =	sbarrier.arrive $0xFFFF  }
0x5f: {  	p0 =	sne.s32 s0, $0x0;
	_ =	strace $0x9000004D  }
0x60: {  	s0 =	sadd.s32 @!p0 $0x100000, s1;
	[bflag:$0x2] =	sbarrier.arrive $0xFFFF  }
0x61: {  	[sflag:s0] =	ssyncadd.tile.s32 @!p0 $0x1;
	_ =	shalt  }
.Lfunc_end2:
_tile_overlayer_lowered:
.L_overlay_start_2:
0x62: {  	(tag) =	ssettag $0x2  }
0x63: {  	s0 =	rddreg [dreg:$0x0];
	s2 =	stileid.u32  }
0x64: {  	s1 =	rddreg [dreg:$0x1];
	p0 =	sne.s32 s2, $0x0  }
0x65: {  	s3 =	rddreg [dreg:$0x2];
	[bflag:$0x3] =	sbarrier.arrive $0xFFFF;
	s2 =	simm.s32 @!p0 $0x1C03  }
0x66: {  	[timem:s3], [sflag:s2] =	dma.local @!p0 [hbm:s0], s1  }
0x67: {  	s0 =	simm.s32 @!p0 $0x3  }
0x68: {  	_ =	swait.ge @!p0 [sflag:s0], s1  }
0x69: {  	s1 =	ssub.s32 @!p0 $0x0, s1;
	[sflag:s0] =	ssyncset.done @!p0 $0x0  }
0x6a: {  	[sflag:s0] =	ssyncadd.s32 @!p0 s1  }
0x6b: {  	[bflag:$0x3] =	sbarrier.arrive $0xFFFF  }
0x6c: {  	_ =	shalt  }

// kernel: kernel.19.cloned.1.call-start
scs
__scs_entry_jumppad:
0x0: {  	(pc) =	sbr.rel $0x88, $3  }
0x1: {  	(tag) =	ssettag $0x0;
	lr =	simm.s32 $0x1  }
0x2: {  	[smem:$0x3F96] =	sst lr;
	_ =	strace $0xD0000000  }
0x3: {  	_ = 	snop  }
0x4: {  	_ = 	snop  }
0x5: {  	_ = 	snop  }
0x6: {  	_ = 	snop  }
0x7: {  	_ = 	snop  }
__scs_overlays_trampoline_lowered:
0x8: {  	[smem:$0x3FA5] =	sst s0  }
0x9: {  	[smem:$0x3FA6] =	sst s1  }
0xa: {  	[smem:$0x3FA7] =	sst s2  }
0xb: {  	[smem:$0x3FA8] =	sst s3  }
0xc: {  	[smem:$0x3FA9] =	sst s4  }
0xd: {  	[smem:$0x3FAA] =	sst s5  }
0xe: {  	[smem:$0x3FAB] =	sst s6  }
0xf: {  	[smem:$0x3FAC] =	sst s7  }
0x10: {  	[smem:$0x3FAD] =	sst s8  }
0x11: {  	[smem:$0x3FAE] =	sst s9;
	s0 =	simm.s32 @!p0 $0x0  }
0x12: {  	s1 =	sld [smem:$0x3F94];
	s0 =	simm.s32 @p0 $0x1  }
0x13: {  	[smem:$0x3FAF] =	sst s0;
	s0 =	simm.s32 @!p1 $0x0  }
0x14: {  	s2 =	sld [smem:$0x3F93];
	s0 =	simm.s32 @p1 $0x1  }
0x15: {  	[smem:$0x3FB0] =	sst s0;
	s0 =	simm.s32 @!p2 $0x0  }
0x16: {  	s3 =	sld [smem:$0x3FDB];
	s0 =	simm.s32 @p2 $0x1  }
0x17: {  	s4 =	simm.s32 $0x1BF5;
	[smem:$0x3FB2] =	sst s0  }
0x18: {  	s0 =	sld [smem:$0x3F95];
	_ =	swait.ge [sflag:s4], $0x0  }
0x19: {  	s7 =	sld [smem:$0x3F96]  }
0x1a: {  	s8 =	sadd.s32 $0xFFFFE003, lr  }
0x1b: {  	s9 =	sadd.s32 $0xFFFFFEF7, lr;
	s5 =	simm.s32 $0xFFFFFFFF;
	p2 =	slt.u32 s8, $0xFFFFF086  }
0x1c: {  	p1 =	slt.u32 s9, $0xF7A;
	s5 =	simm.s32 @!p2 $0x0  }
0x1d: {  	s5 =	simm.s32 @p1 $0x1;
	p0 =	seq.s32 s7, s2  }
0x1e: {  	s7 =	smul.u32 @!p0 $0xF7A, s2;
	p2 =	seq.s32 @!p0 s5, $0x0  }
0x1f: {  	s9 =	smul.u32 $0xF7A, s1;
	s8 =	simm.s32 @!p0 $0x1BF5;
	p2 =	por !p2, p0  }
0x20: {  	[sflag:s8] =	ssyncset.s32 @!p0 $0xFFFFF086;
	s6 =	sadd.s32 @!p0 s3, s7;
	s7 =	simm.s32 @!p0 $0x108  }
0x21: {  	s3 =	sadd.s32 s3, s9;
	s6 =	sadd.s32 @!p0 $0x88, s6;
	s7 =	simm.s32 @p2 $0x1082  }
0x22: {  	[simem:s7], [sflag:s8] =	dma.local @!p0 [hbm:s6], $0xF7A  }
0x23: {  	s9 =	sor.u32 $0xD0000000, s2;
	s6 =	simm.s32 $0x108;
	_ =	swait.ge @!p0 [sflag:s8], $0x0  }
0x24: {  	s3 =	sadd.s32 $0x88, s3;
	s6 =	simm.s32 @!p1 $0x1082;
	[sflag:s4] =	ssyncset.s32 $0xFFFFF086  }
0x25: {  	[simem:s6], [sflag:s4] =	dma.local [hbm:s3], $0xF7A  }
0x26: {  	[smem:$0x3F96] =	sst s1;
	(tag) =	ssettag s2;
	_ =	strace s9  }
0x27: {  	s1 =	sld [smem:$0x3FA6]  }
0x28: {  	s2 =	sld [smem:$0x3FA7]  }
0x29: {  	s4 =	sld [smem:$0x3FA9]  }
0x2a: {  	p0 =	seq.s32 s5, $0x0;
	s5 =	sld [smem:$0x3FAA]  }
0x2b: {  	s6 =	sld [smem:$0x3FAB]  }
0x2c: {  	s7 =	sld [smem:$0x3FAC]  }
0x2d: {  	s3 =	simm.s32 $0x108;
	s8 =	sld [smem:$0x3FAD]  }
0x2e: {  	s3 =	simm.s32 @!p0 $0x1082;
	s9 =	sld [smem:$0x3FAE]  }
0x2f: {  	lr =	sadd.s32 s0, s3;
	s0 =	sld [smem:$0x3FA5]  }
0x30: {  	s3 =	sld [smem:$0x3FA8]  }
0x31: {  	[smem:$0x3FB1] =	sst s10  }
0x32: {  	s10 =	sld [smem:$0x3FAF];
	_ =	sdelay $0x3  }
0x33: {  	p0 =	seq.s32 s10, $0x1;
	s10 =	sld [smem:$0x3FB1];
	_ =	sdelay $0x3  }
0x34: {  	[smem:$0x3FB1] =	sst s10  }
0x35: {  	s10 =	sld [smem:$0x3FB0];
	_ =	sdelay $0x3  }
0x36: {  	p1 =	seq.s32 s10, $0x1;
	s10 =	sld [smem:$0x3FB1];
	_ =	sdelay $0x3  }
0x37: {  	[smem:$0x3FB1] =	sst s10  }
0x38: {  	s10 =	sld [smem:$0x3FB2]  }
0x39: {  	_ = 	snop;
	(pc) =	sbr.ind lr, $3  }
0x3a: {  	_ = 	snop  }
0x3b: {  	_ = 	snop  }
0x3c: {  	p2 =	seq.s32 s10, $0x1;
	s10 =	sld [smem:$0x3FB1]  }
0x3d: {  	_ =	shalt  }
0x3e: {  	_ =	shalt  }
0x3f: {  	_ =	shalt  }
0x40: {  	_ =	shalt  }
0x41: {  	_ =	shalt  }
0x42: {  	_ =	shalt  }
0x43: {  	_ =	shalt  }
0x44: {  	_ =	shalt  }
0x45: {  	_ =	shalt  }
0x46: {  	_ =	shalt  }
0x47: {  	_ =	shalt  }
0x48: {  	_ =	shalt  }
0x49: {  	_ =	shalt  }
0x4a: {  	_ =	shalt  }
0x4b: {  	_ =	shalt  }
0x4c: {  	_ =	shalt  }
0x4d: {  	_ =	shalt  }
0x4e: {  	_ =	shalt  }
0x4f: {  	_ =	shalt  }
0x50: {  	_ =	shalt  }
0x51: {  	_ =	shalt  }
0x52: {  	_ =	shalt  }
0x53: {  	_ =	shalt  }
0x54: {  	_ =	shalt  }
0x55: {  	_ =	shalt  }
0x56: {  	_ =	shalt  }
0x57: {  	_ =	shalt  }
0x58: {  	_ =	shalt  }
0x59: {  	_ =	shalt  }
0x5a: {  	_ =	shalt  }
0x5b: {  	_ =	shalt  }
0x5c: {  	_ =	shalt  }
0x5d: {  	_ =	shalt  }
0x5e: {  	_ =	shalt  }
0x5f: {  	_ =	shalt  }
0x60: {  	_ =	shalt  }
0x61: {  	_ =	shalt  }
0x62: {  	_ =	shalt  }
0x63: {  	_ =	shalt  }
0x64: {  	_ =	shalt  }
0x65: {  	_ =	shalt  }
0x66: {  	_ =	shalt  }
0x67: {  	_ =	shalt  }
0x68: {  	_ =	shalt  }
0x69: {  	_ =	shalt  }
0x6a: {  	_ =	shalt  }
0x6b: {  	_ =	shalt  }
0x6c: {  	_ =	shalt  }
0x6d: {  	_ =	shalt  }
0x6e: {  	_ =	shalt  }
0x6f: {  	_ =	shalt  }
0x70: {  	_ =	shalt  }
0x71: {  	_ =	shalt  }
0x72: {  	_ =	shalt  }
0x73: {  	_ =	shalt  }
0x74: {  	_ =	shalt  }
0x75: {  	_ =	shalt  }
0x76: {  	_ =	shalt  }
0x77: {  	_ =	shalt  }
0x78: {  	_ =	shalt  }
0x79: {  	_ =	shalt  }
0x7a: {  	_ =	shalt  }
0x7b: {  	_ =	shalt  }
0x7c: {  	_ =	shalt  }
0x7d: {  	_ =	shalt  }
0x7e: {  	_ =	shalt  }
0x7f: {  	_ =	shalt  }
0x80: {  	_ =	shalt  }
0x81: {  	_ =	shalt  }
0x82: {  	_ =	shalt  }
0x83: {  	_ =	shalt  }
0x84: {  	_ =	shalt  }
0x85: {  	_ =	shalt  }
0x86: {  	_ =	shalt  }
0x87: {  	_ =	shalt  }
.Lfunc_end0:
.L_simem_size_0:
called_computation.3_lowered:
.L_overlay_start_0:
0x88: {  	s2 =	sld [smem:$0x3FD9]  }
0x89: {  	s3 =	sld [smem:$0x3FFE];
	_ =	sdelay $0x1  }
0x8a: {  	s1 =	srdreg.scid  }
0x8b: {  	s0 =	sand.u32 $0x1, s1  }
0x8c: {  	s16 =	sshll.u32 s0, $0xA;
	s2 =	sadd.s32 s3, s2  }
0x8d: {  	s2 =	sadd.s32 s2, s16  }
0x8e: {  	[smem:$0x3FBD] =	sst s2  }
0x8f: {  	_ = 	snop  }
0x90: {  	(tm) =	ssettm $0x1  }
0x91: {  	s17 =	sld [smem:$0x3FFB];
	_ =	sdelay $0x3  }
0x92: {  	_ =	strace s17  }
0x93: {  	s2 =	sld [smem:$0x3FFC];
	_ =	sdelay $0x3  }
0x94: {  	_ =	strace s2  }
0x95: {  	s2 =	sld [smem:$0x3FFD];
	_ =	sdelay $0x3  }
0x96: {  	_ =	strace s2  }
0x97: {  	_ =	strace $0x8FFFFFFF  }
0x98: {  	s18 =	sld [smem:$0x3FDB];
	_ =	sdelay $0x1  }
0x99: {  	s19 =	simm.s32 $_scs_section_size  }
0x9a: {  	s4 =	simm.s32 $_size__tile_overlayer_lowered;
	s5 =	simm.s32 $_tile_overlayer_lowered  }
0x9b: {  	s22 =	simm.s32 $0x1BFF;
	s21 =	sshll.u32 s5, $0x1;
	s2 =	sadd.s32 s19, s18  }
0x9c: {  	s6 =	simm.s32 $0x0;
	s20 =	sshll.u32 s4, $0x1;
	s4 =	sadd.s32 s21, s2  }
0x9d: {  	[timem:s6], [sflag:s22] =	dma.local [hbm:s4], s20  }
0x9e: {  	_ =	swait.ge [sflag:s22], s20  }
0x9f: {  	s3 =	ssub.s32 $0x0, s20;
	[sflag:s22] =	ssyncset.done $0x0  }
0xa0: {  	[sflag:s22] =	ssyncadd.s32 s3;
	_ =	sdelay $0x1  }
0xa1: {  	s23 =	simm.s32 $0x1B8B  }
0xa2: {  	_ =	swait.ge [sflag:s23], $0x1  }
0xa3: {  	[sflag:s23] =	ssyncset.done $0x0  }
0xa4: {  	s25 =	simm.s32 $0x1B8E;
	s24 =	sld [smem:$0x3FFE];
	[sflag:s23] =	ssyncadd.s32 $0xFFFFFFFF  }
0xa5: {  	s26 =	simm.s32 $execute0_lowered;
	[smem:$0x3FD2] =	sst s25  }
0xa6: {  	s4 =	sshll.u32 s26, $0x1;
	_ =	strace $0x8000004F;
	[dreg:$0x1] =	wrdreg $0xFFFFFFFF  }
0xa7: {  	s28 =	simm.s32 $_size_execute0_lowered;
	s2 =	sadd.s32 s2, s4;
	[dreg:$0x0] =	wrdreg $0x0  }
0xa8: {  	s4 =	sshll.u32 s28, $0x1;
	[dreg:$0x2] =	wrdreg s2  }
0xa9: {  	[dreg:$0x3] =	wrdreg s4  }
0xaa: {  	[dreg:$0x4] =	wrdreg $0xC0  }
0xab: {  	_ =	task [dreg:s6], $0x5FFFF  }
0xac: {  	[dreg:$0x1] =	wrdreg $0xFFFFFFFF  }
0xad: {  	[dreg:$0x0] =	wrdreg $0x60  }
0xae: {  	[dreg:$0x2] =	wrdreg s24  }
0xaf: {  	[dreg:$0x3] =	wrdreg $0x9  }
0xb0: {  	_ =	task.clear_ibuf [dreg:s6], $0x4FFFF;
	_ =	strace $0x9000004F  }
0xb1: {  	s29 =	simm.s32 $0x9;
	_ =	strace $0x80000051  }
0xb2: {  	_ =	swait.ge [sflag:s29], $0x1  }
0xb3: {  	[sflag:s29] =	ssyncadd.s32 $0xFFFFFFFF  }
0xb4: {  	_ =	strace $0x90000051  }
0xb5: {  	_ =	sfence  }
0xb6: {  	s30 =	sld [smem:$0x0];
	_ =	sdelay $0x2  }
0xb7: {  	s31 =	sshll.u32 s1, $0xD;
	s1 =	sshrl.u32 s1, $0x2  }
0xb8: {  	s3 =	sand.u32 $0x4000, s31;
	s1 =	sadd.s32 s1, s30  }
0xb9: {  	s0 =	sor.u32 s3, s0;
	s1 =	sshll.u32 s1, $0x11  }
0xba: {  	s0 =	sor.u32 s1, s0  }
0xbb: {  	s0 =	sadd.s32 $0x8F2B, s0  }
0xbc: {  	[sflag:s0] =	ssyncadd.remote.s32 $0x1  }
0xbd: {  	_ =	sfence.sel $0xFFFF  }
0xbe: {  	[dreg:$0x0] =	wrdreg $0xFFFFFFFF;
	(pc) =	sbr.abs _section_cstart, $3  }
0xbf: {  	[dreg:$0x1] =	wrdreg $0xFFFFFFFF  }
0xc0: {  	_ =	task.clear_ibuf [dreg:s6], $0x2FFFF;
	_ =	strace $0x9FFFFFFF  }
0xc1: {  	(tm) =	ssettm $0x7FFFFFFF  }
tec
execute0_lowered:
.L_overlay_start_1:
0x0: {  	(tag) =	ssettag $0x1  }
0x1: {  	s1 =	srdreg.scid;
	s0 =	stileid.u32  }
0x2: {  	s5 =	rddreg [dreg:$0x0];
	s16 =	simm.s32 $0xC8;
	s17 =	simm.s32 $0x1900  }
0x3: {  	s18 =	simm.s32 $0x7D00;
	s19 =	simm.s32 $0xE100;
	s20 =	simm.s32 $0x14500  }
0x4: {  	s21 =	simm.s32 $0x1;
	s22 =	simm.s32 $0x2;
	s23 =	simm.s32 $0xBB8  }
0x5: {  	s24 =	simm.s32 $0x1838;
	s25 =	simm.s32 $0x0;
	s1 =	sand.u32 $0x1, s1  }
0x6: {  	s2 =	sshll.u32 s0, $0x1;
	s4 =	sadd.s32 $0x8E800, s5;
	s13 =	smul.u32 $0x19000, s0  }
0x7: {  	s6 =	sor.u32 s1, s2;
	s8 =	ssub.s32 $0x2, s1;
	s1 =	smul.u32 $0xC800, s1  }
0x8: {  	s11 =	sadd.s32 $0x134C00, s5;
	s2 =	simm.s32 $0x0;
	s3 =	smul.u32 $0xC80, s6  }
0x9: {  	s12 =	sadd.s32 $0x2C4C00, s5;
	[smem:$0x7FF] =	sst s2;
	s10 =	smul.u32 $0xC800, s6  }
0xa: {  	s31 =	sshrl.u32 s8, $0x1;
	s15 =	sadd.s32 s13, s11;
	s13 =	sadd.s32 s13, s12  }
0xb: {  	_ =	strace $0x80000050;
	s8 =	ssub.s32 s8, s31;
	s13 =	sadd.s32 s1, s13  }
0xc: {  	s7 =	sshrl.u32 s3, $0x3;
	s3 =	sadd.s32 $0xB6800, s5;
	s14 =	sadd.s32 $0xBB80, s10  }
0xd: {  	s9 =	sadd.s32 $0xAF00, s10;
	s7 =	sadd.s32 s7, s5;
	s10 =	sadd.s32 s11, s14  }
0xe: {  	s5 =	sadd.s32 $0x131A00, s7;
	s6 =	sadd.s32 $0x12E800, s7;
	s7 =	smax.u32 s8, $0x1  }
0xf: {  	s8 =	sadd.s32 s11, s9;
	s9 =	sadd.s32 s12, s9;
	s11 =	sadd.s32 s12, s14  }
0x10: {  	s12 =	sadd.s32 s1, s15;
	s14 =	simm.s32 $0x3;
	s15 =	simm.s32 $0xC80  }
.LBB2_1:
0x11: {  	[tilespmem:s2], [sflag:$0x3] =	stream.linear.gather [hbm4b:s5+s2], $0xC80, $0x38;
	[tilespmem:$0x1A900] =	vst v63  }
0x12: {  	_ =	swait.ge [sflag:s14], $0xC80  }
0x13: {  	[sflag:s14] =	ssyncset.done $0x0  }
0x14: {  	[sflag:s14] =	ssyncadd.s32 $0xFFFFF380  }
0x15: {  	[tilespmem:s15], [sflag:$0x3] =	stream.linear.gather [hbm4b:s6+s2], $0xC80, $0x38;
	[tilespmem:$0x1A900] =	vst v63  }
0x16: {  	_ =	swait.ge [sflag:s14], $0xC80  }
0x17: {  	[sflag:s14] =	ssyncset.done $0x0  }
0x18: {  	[sflag:s14] =	ssyncadd.s32 $0xFFFFF380  }
0x19: {  	[tilespmem:s17], [sflag:$0x1] =	stream.indirect.gather [hbm4b:s3+s16], $0x80, s2, s16, $0xb8;
	[tilespmem:$0x1A900] =	vst v63  }
0x1a: {  	_ = 	snop  }
0x1b: {  	[tilespmem:s18], [sflag:$0x1] =	stream.indirect.gather [hbm4b:s4+s16], $0x80, s15, s16, $0xb8;
	[tilespmem:$0x1A900] =	vst v63  }
0x1c: {  	s1 =	simm.s32 $0xC8  }
0x1d: {  	[tilespmem:s19], [sflag:$0x2] =	stream.indirect.gather [hbm4b:s3+s16], $0x80, s1, s16, $0xb8;
	[tilespmem:$0x1A900] =	vst v63  }
0x1e: {  	s26 =	simm.s32 $0xD48  }
0x1f: {  	[tilespmem:s20], [sflag:$0x2] =	stream.indirect.gather [hbm4b:s4+s16], $0x80, s26, s16, $0xb8;
	[tilespmem:$0x1A900] =	vst v63  }
0x20: {  	_ =	swait.ge [sflag:s21], $0x6400  }
0x21: {  	[sflag:s21] =	ssyncset.done $0x0  }
0x22: {  	[sflag:s21] =	ssyncadd.s32 $0xFFFF9C00  }
0x23: {  	_ =	swait.ge [sflag:s21], $0x6400  }
0x24: {  	[sflag:s21] =	ssyncset.done $0x0  }
0x25: {  	[sflag:s21] =	ssyncadd.s32 $0xFFFF9C00  }
0x26: {  	[hbm4b:s12+s2] =	stream.linear.scatter [tilespmem:s17], [sflag:$0x3], $0x6400, $0x38;
	[tilespmem:$0x1A900] =	vst v63  }
0x27: {  	_ =	swait.ge [sflag:s14], $0x6400  }
0x28: {  	[sflag:s14] =	ssyncset.done $0x0  }
0x29: {  	[sflag:s14] =	ssyncadd.s32 $0xFFFF9C00  }
0x2a: {  	[hbm4b:s13+s2] =	stream.linear.scatter [tilespmem:s18], [sflag:$0x3], $0x6400, $0x38;
	[tilespmem:$0x1A900] =	vst v63  }
0x2b: {  	_ =	swait.ge [sflag:s14], $0x6400  }
0x2c: {  	[sflag:s14] =	ssyncset.done $0x0  }
0x2d: {  	s31 =	simm.s32 $0x190;
	[sflag:s14] =	ssyncadd.s32 $0xFFFF9C00  }
0x2e: {  	[tilespmem:s17], [sflag:$0x1] =	stream.indirect.gather [hbm4b:s3+s16], $0x80, s31, s16, $0xb8;
	[tilespmem:$0x1A900] =	vst v63  }
0x2f: {  	s0 =	simm.s32 $0xE10  }
0x30: {  	[tilespmem:s18], [sflag:$0x1] =	stream.indirect.gather [hbm4b:s4+s16], $0x80, s0, s16, $0xb8;
	[tilespmem:$0x1A900] =	vst v63  }
0x31: {  	_ =	swait.ge [sflag:s22], $0x6400  }
0x32: {  	[sflag:s22] =	ssyncset.done $0x0  }
0x33: {  	[sflag:s22] =	ssyncadd.s32 $0xFFFF9C00  }
0x34: {  	_ =	swait.ge [sflag:s22], $0x6400  }
0x35: {  	[sflag:s22] =	ssyncset.done $0x0  }
0x36: {  	s26 =	sadd.s32 $0xC80, s12;
	[sflag:s22] =	ssyncadd.s32 $0xFFFF9C00  }
0x37: {  	[hbm4b:s26+s2] =	stream.linear.scatter [tilespmem:s19], [sflag:$0x3], $0x6400, $0x38;
	[tilespmem:$0x1A900] =	vst v63  }
0x38: {  	_ =	swait.ge [sflag:s14], $0x6400  }
0x39: {  	[sflag:s14] =	ssyncset.done $0x0  }
0x3a: {  	s31 =	sadd.s32 $0xC80, s13;
	[sflag:s14] =	ssyncadd.s32 $0xFFFF9C00  }
0x3b: {  	[hbm4b:s31+s2] =	stream.linear.scatter [tilespmem:s20], [sflag:$0x3], $0x6400, $0x38;
	[tilespmem:$0x1A900] =	vst v63  }
0x3c: {  	s30 =	simm.s32 $0xC80;
	s29 =	simm.s32 $0x190;
	_ =	swait.ge [sflag:s14], $0x6400  }
0x3d: {  	s28 =	sadd.s32 $0x1900, s12;
	s26 =	sadd.s32 $0x1900, s13;
	[sflag:s14] =	ssyncset.done $0x0  }
.LBB2_2:
0x3e: {  	s0 =	sadd.s32 $0xC8, s29  }
0x3f: {  	[sflag:s14] =	ssyncadd.s32 $0xFFFF9C00;
	s31 =	smov.u32 s30;
	s1 =	sadd.s32 $0x640, s30  }
0x40: {  	[tilespmem:s19], [sflag:$0x2] =	stream.indirect.gather [hbm4b:s3+s16], $0x80, s0, s16, $0xb8;
	[tilespmem:$0x1A900] =	vst v63  }
0x41: {  	p0 =	sne.s32 s30, $0x2580;
	s0 =	sadd.s32 $0xD48, s29  }
0x42: {  	[tilespmem:s20], [sflag:$0x2] =	stream.indirect.gather [hbm4b:s4+s16], $0x80, s0, s16, $0xb8;
	[tilespmem:$0x1A900] =	vst v63  }
0x43: {  	_ =	swait.ge [sflag:s21], $0x6400  }
0x44: {  	[sflag:s21] =	ssyncset.done $0x0  }
0x45: {  	[sflag:s21] =	ssyncadd.s32 $0xFFFF9C00  }
0x46: {  	_ =	swait.ge [sflag:s21], $0x6400  }
0x47: {  	[sflag:s21] =	ssyncset.done $0x0  }
0x48: {  	[sflag:s21] =	ssyncadd.s32 $0xFFFF9C00  }
0x49: {  	[hbm4b:s28+s2] =	stream.linear.scatter [tilespmem:s17], [sflag:$0x3], $0x6400, $0x38;
	[tilespmem:$0x1A900] =	vst v63  }
0x4a: {  	_ =	swait.ge [sflag:s14], $0x6400  }
0x4b: {  	[sflag:s14] =	ssyncset.done $0x0  }
0x4c: {  	[sflag:s14] =	ssyncadd.s32 $0xFFFF9C00  }
0x4d: {  	[hbm4b:s26+s2] =	stream.linear.scatter [tilespmem:s18], [sflag:$0x3], $0x6400, $0x38;
	[tilespmem:$0x1A900] =	vst v63  }
0x4e: {  	_ =	swait.ge [sflag:s14], $0x6400  }
0x4f: {  	[sflag:s14] =	ssyncset.done $0x0  }
0x50: {  	s0 =	sadd.s32 $0x190, s29;
	[sflag:s14] =	ssyncadd.s32 $0xFFFF9C00  }
0x51: {  	[tilespmem:s17], [sflag:$0x1] =	stream.indirect.gather [hbm4b:s3+s16], $0x80, s0, s16, $0xb8;
	[tilespmem:$0x1A900] =	vst v63  }
0x52: {  	s0 =	sadd.s32 $0xE10, s29  }
0x53: {  	[tilespmem:s18], [sflag:$0x1] =	stream.indirect.gather [hbm4b:s4+s16], $0x80, s0, s16, $0xb8;
	[tilespmem:$0x1A900] =	vst v63  }
0x54: {  	_ =	swait.ge [sflag:s22], $0x6400  }
0x55: {  	[sflag:s22] =	ssyncset.done $0x0  }
0x56: {  	[sflag:s22] =	ssyncadd.s32 $0xFFFF9C00  }
0x57: {  	_ =	swait.ge [sflag:s22], $0x6400  }
0x58: {  	[sflag:s22] =	ssyncset.done $0x0  }
0x59: {  	s0 =	sadd.s32 $0xC80, s28;
	[sflag:s22] =	ssyncadd.s32 $0xFFFF9C00  }
0x5a: {  	[hbm4b:s0+s2] =	stream.linear.scatter [tilespmem:s19], [sflag:$0x3], $0x6400, $0x38;
	[tilespmem:$0x1A900] =	vst v63  }
0x5b: {  	_ =	swait.ge [sflag:s14], $0x6400  }
.Ltmp0:
0x5c: {  	[sflag:s14] =	ssyncset.done $0x0;
	(pc) =	sbr.rel @p0 .LBB2_2-.Ltmp0, $4  }
0x5d: {  	s0 =	sadd.s32 $0xC80, s26;
	[sflag:s14] =	ssyncadd.s32 $0xFFFF9C00  }
0x5e: {  	[hbm4b:s0+s2] =	stream.linear.scatter [tilespmem:s20], [sflag:$0x3], $0x6400, $0x38;
	[tilespmem:$0x1A900] =	vst v63  }
0x5f: {  	s30 =	smov.u32 s1;
	s26 =	sadd.s32 $0x1900, s26;
	_ =	swait.ge [sflag:s14], $0x6400  }
0x60: {  	s29 =	sshra.s32 s31, $0x2;
	s28 =	sadd.s32 $0x1900, s28;
	[sflag:s14] =	ssyncset.done $0x0  }
0x61: {  	s0 =	sadd.s32 $0xC8, s29;
	[sflag:s14] =	ssyncadd.s32 $0xFFFF9C00  }
0x62: {  	[tilespmem:s19], [sflag:$0x2] =	stream.indirect.gather [hbm4b:s3+s16], $0x80, s0, s16, $0xb8;
	[tilespmem:$0x1A900] =	vst v63  }
0x63: {  	s31 =	sadd.s32 $0xD48, s29  }
0x64: {  	[tilespmem:s20], [sflag:$0x2] =	stream.indirect.gather [hbm4b:s4+s16], $0x80, s31, s16, $0xb8;
	[tilespmem:$0x1A900] =	vst v63  }
0x65: {  	_ =	swait.ge [sflag:s21], $0x6400  }
0x66: {  	[sflag:s21] =	ssyncset.done $0x0  }
0x67: {  	[sflag:s21] =	ssyncadd.s32 $0xFFFF9C00  }
0x68: {  	_ =	swait.ge [sflag:s21], $0x6400  }
0x69: {  	[sflag:s21] =	ssyncset.done $0x0  }
0x6a: {  	[sflag:s21] =	ssyncadd.s32 $0xFFFF9C00  }
0x6b: {  	[hbm4b:s28+s2] =	stream.linear.scatter [tilespmem:s17], [sflag:$0x3], $0x6400, $0x38;
	[tilespmem:$0x1A900] =	vst v63  }
0x6c: {  	_ =	swait.ge [sflag:s14], $0x6400  }
0x6d: {  	[sflag:s14] =	ssyncset.done $0x0  }
0x6e: {  	[sflag:s14] =	ssyncadd.s32 $0xFFFF9C00  }
0x6f: {  	[hbm4b:s26+s2] =	stream.linear.scatter [tilespmem:s18], [sflag:$0x3], $0x6400, $0x38;
	[tilespmem:$0x1A900] =	vst v63  }
0x70: {  	_ =	swait.ge [sflag:s14], $0x6400  }
0x71: {  	[sflag:s14] =	ssyncset.done $0x0  }
0x72: {  	s1 =	sadd.s32 $0x190, s29;
	[sflag:s14] =	ssyncadd.s32 $0xFFFF9C00  }
0x73: {  	[tilespmem:s17], [sflag:$0x1] =	stream.indirect.gather [hbm4b:s3+s16], $0x80, s1, s16, $0xb8;
	[tilespmem:$0x1A900] =	vst v63  }
0x74: {  	s29 =	sadd.s32 $0xE10, s29  }
0x75: {  	[tilespmem:s18], [sflag:$0x1] =	stream.indirect.gather [hbm4b:s4+s16], $0x80, s29, s16, $0xb8;
	[tilespmem:$0x1A900] =	vst v63  }
0x76: {  	_ =	swait.ge [sflag:s22], $0x6400  }
0x77: {  	[sflag:s22] =	ssyncset.done $0x0  }
0x78: {  	[sflag:s22] =	ssyncadd.s32 $0xFFFF9C00  }
0x79: {  	_ =	swait.ge [sflag:s22], $0x6400  }
0x7a: {  	[sflag:s22] =	ssyncset.done $0x0  }
0x7b: {  	s30 =	sadd.s32 $0xC80, s28;
	[sflag:s22] =	ssyncadd.s32 $0xFFFF9C00  }
0x7c: {  	[hbm4b:s30+s2] =	stream.linear.scatter [tilespmem:s19], [sflag:$0x3], $0x6400, $0x38;
	[tilespmem:$0x1A900] =	vst v63  }
0x7d: {  	_ =	swait.ge [sflag:s14], $0x6400  }
0x7e: {  	[sflag:s14] =	ssyncset.done $0x0  }
0x7f: {  	s31 =	sadd.s32 $0xC80, s26;
	[sflag:s14] =	ssyncadd.s32 $0xFFFF9C00  }
0x80: {  	[hbm4b:s31+s2] =	stream.linear.scatter [tilespmem:s20], [sflag:$0x3], $0x6400, $0x38;
	[tilespmem:$0x1A900] =	vst v63  }
0x81: {  	_ =	swait.ge [sflag:s14], $0x6400  }
0x82: {  	[sflag:s14] =	ssyncset.done $0x0  }
0x83: {  	[sflag:s14] =	ssyncadd.s32 $0xFFFF9C00  }
0x84: {  	[tilespmem:s19], [sflag:$0x2] =	stream.indirect.gather [hbm4b:s3+s16], $0x80, s23, s16, $0xb8;
	[tilespmem:$0x1A900] =	vst v63  }
0x85: {  	_ = 	snop  }
0x86: {  	[tilespmem:s20], [sflag:$0x2] =	stream.indirect.gather [hbm4b:s4+s16], $0x80, s24, s16, $0xb8;
	[tilespmem:$0x1A900] =	vst v63  }
0x87: {  	_ =	swait.ge [sflag:s21], $0x6400  }
0x88: {  	[sflag:s21] =	ssyncset.done $0x0  }
0x89: {  	[sflag:s21] =	ssyncadd.s32 $0xFFFF9C00  }
0x8a: {  	_ =	swait.ge [sflag:s21], $0x6400  }
0x8b: {  	[sflag:s21] =	ssyncset.done $0x0  }
0x8c: {  	[sflag:s21] =	ssyncadd.s32 $0xFFFF9C00  }
0x8d: {  	[hbm4b:s8+s2] =	stream.linear.scatter [tilespmem:s17], [sflag:$0x3], $0x6400, $0x38;
	[tilespmem:$0x1A900] =	vst v63  }
0x8e: {  	_ =	swait.ge [sflag:s14], $0x6400  }
0x8f: {  	[sflag:s14] =	ssyncset.done $0x0  }
0x90: {  	[sflag:s14] =	ssyncadd.s32 $0xFFFF9C00  }
0x91: {  	[hbm4b:s9+s2] =	stream.linear.scatter [tilespmem:s18], [sflag:$0x3], $0x6400, $0x38;
	[tilespmem:$0x1A900] =	vst v63  }
0x92: {  	_ =	swait.ge [sflag:s14], $0x6400  }
0x93: {  	[sflag:s14] =	ssyncset.done $0x0  }
0x94: {  	[sflag:s14] =	ssyncadd.s32 $0xFFFF9C00  }
0x95: {  	_ =	swait.ge [sflag:s22], $0x6400  }
0x96: {  	[sflag:s22] =	ssyncset.done $0x0  }
0x97: {  	[sflag:s22] =	ssyncadd.s32 $0xFFFF9C00  }
0x98: {  	_ =	swait.ge [sflag:s22], $0x6400  }
0x99: {  	[sflag:s22] =	ssyncset.done $0x0  }
0x9a: {  	[sflag:s22] =	ssyncadd.s32 $0xFFFF9C00  }
0x9b: {  	[hbm4b:s10+s2] =	stream.linear.scatter [tilespmem:s19], [sflag:$0x3], $0x6400, $0x38;
	[tilespmem:$0x1A900] =	vst v63  }
0x9c: {  	s25 =	sadd.s32 $0x1, s25;
	_ =	swait.ge [sflag:s14], $0x6400  }
0x9d: {  	p0 =	sne.s32 s25, s7;
	[sflag:s14] =	ssyncset.done $0x0  }
.Ltmp1:
0x9e: {  	[sflag:s14] =	ssyncadd.s32 $0xFFFF9C00;
	(pc) =	sbr.rel @p0 .LBB2_1-.Ltmp1, $4  }
0x9f: {  	[hbm4b:s11+s2] =	stream.linear.scatter [tilespmem:s20], [sflag:$0x3], $0x6400, $0x38;
	[tilespmem:$0x1A900] =	vst v63  }
0xa0: {  	_ =	swait.ge [sflag:s14], $0x6400  }
0xa1: {  	[sflag:s14] =	ssyncset.done $0x0  }
0xa2: {  	[sflag:s14] =	ssyncadd.s32 $0xFFFF9C00  }
0xa3: {  	_ =	sfence.sel $0x180000  }
0xa4: {  	[bflag:$0x0] =	sbarrier.arrive $0xFFFF  }
0xa5: {  	_ =	strace $0x90000050  }
0xa6: {  	s0 =	stileid.u32;
	[bflag:$0x2] =	sbarrier.arrive $0xFFFF  }
0xa7: {  	p0 =	sne.s32 s0, $0x0;
	s0 =	rddreg [dreg:$0x1]  }
0xa8: {  	s0 =	sadd.s32 @!p0 $0x100000, s0  }
0xa9: {  	[sflag:s0] =	ssyncadd.tile.s32 @!p0 $0x1;
	_ =	shalt  }
.Lfunc_end2:
_tile_overlayer_lowered:
.L_overlay_start_2:
0xaa: {  	(tag) =	ssettag $0x2  }
0xab: {  	s0 =	rddreg [dreg:$0x0];
	s2 =	stileid.u32  }
0xac: {  	s1 =	rddreg [dreg:$0x1];
	p0 =	sne.s32 s2, $0x0  }
0xad: {  	s3 =	rddreg [dreg:$0x2];
	[bflag:$0x3] =	sbarrier.arrive $0xFFFF;
	s2 =	simm.s32 @!p0 $0x1C03  }
0xae: {  	[timem:s3], [sflag:s2] =	dma.local @!p0 [hbm:s0], s1  }
0xaf: {  	s0 =	simm.s32 @!p0 $0x3  }
0xb0: {  	_ =	swait.ge @!p0 [sflag:s0], s1  }
0xb1: {  	s1 =	ssub.s32 @!p0 $0x0, s1;
	[sflag:s0] =	ssyncset.done @!p0 $0x0  }
0xb2: {  	[sflag:s0] =	ssyncadd.s32 @!p0 s1  }
0xb3: {  	[bflag:$0x3] =	sbarrier.arrive $0xFFFF  }
0xb4: {  	_ =	shalt  }

</sc_bundles>
